<compile_context>
chip_gen: v7x
topology: tpu7x:2x2x1
jax: 0.10.2.dev20260603
libtpu: 0.0.44.dev20260713+nightly
codegen_flags: <defaults>
</compile_context>

<pallas_src>
import functools

import jax
import jax.numpy as jnp
from jax import lax
from jax.experimental import pallas as pl
from jax.experimental.pallas import tpu as pltpu
from jax.experimental.pallas import tpu_sc as plsc

D = 64
DP = 128
SB = 2
DPP = DP + 1
SCALE = 8.0
L = 16


def kernel(x, emb):
    B, S = x.shape
    info = plsc.get_sparse_core_info()
    NC, NS = info.num_cores, info.num_subcores
    NW = NC * NS
    assert B == NW * DP
    NB = S // SB
    assert S % (2 * SB) == 0

    mesh = plsc.VectorSubcoreMesh(core_axis_name="c", subcore_axis_name="s")

    @functools.partial(
        pl.kernel,
        mesh=mesh,
        out_type=jax.ShapeDtypeStruct((S, D // 8, B // DP, 8, DP),
                                      jnp.float32),
        scratch_types=(
            [pltpu.VMEM((SB * DP,), jnp.int32) for _ in range(4)]
            + [pltpu.VMEM((SB * DP, D), jnp.float32) for _ in range(4)]
            + [pltpu.VMEM((SB, D // 8, 8, DPP), jnp.float32)
               for _ in range(2)]
            + [pltpu.SemaphoreType.DMA for _ in range(10)]
        ),
        compiler_params=pltpu.CompilerParams(use_tc_tiling_on_sc=False,
                                             needs_layout_passes=False),
    )
    def emb_kernel(xt_hbm, table_hbm, out_hbm,
                   ix0, ix1, ix2, ix3, g0, g1, g2, g3, o0, o1,
                   isem0, isem1, isem2, isem3,
                   gsem0, gsem1, gsem2, gsem3, osem0, osem1):
        wid = lax.axis_index("s") * NC + lax.axis_index("c")
        b0 = wid * DP
        idx = (ix0, ix1, ix2, ix3)
        G = (g0, g1, g2, g3)
        O = (o0, o1)
        isem = (isem0, isem1, isem2, isem3)
        gsem = (gsem0, gsem1, gsem2, gsem3)
        osem = (osem0, osem1)

        iota = lax.iota(jnp.int32, L)
        zero = iota * 0
        dhi = [lax.shift_right_logical(iota + L * q, 3)
               for q in range(D // L)]
        dlo = [lax.bitwise_and(iota + L * q, 7) for q in range(D // L)]

        def start_idx(k, b):
            s = SB * k
            for u in range(SB):
                pltpu.async_copy(xt_hbm.at[s + u, pl.ds(b0, DP)],
                                 idx[b].at[pl.ds(u * DP, DP)], isem[b])

        def wait_idx(b):
            for u in range(SB):
                pltpu.make_async_copy(xt_hbm.at[0, pl.ds(b0, DP)],
                                      idx[b].at[pl.ds(u * DP, DP)],
                                      isem[b]).wait()

        def start_gather(b):
            pltpu.async_copy(table_hbm.at[idx[b]], G[b], gsem[b])

        def wait_gather(b):
            pltpu.make_async_copy(table_hbm.at[idx[b]], G[b], gsem[b]).wait()

        def transpose_block_src(b, ob_i):
            gb, ob = G[b], O[ob_i]

            def jbody(j, carry):
                shi = zero + (j >> 7)
                colj = zero + (j & (DP - 1))
                vals = [gb[j, pl.ds(L * q, L)] * SCALE
                        for q in range(D // L)]
                for q in range(D // L):
                    plsc.store_scatter(ob, [shi, dhi[q], dlo[q], colj],
                                       vals[q])
                return carry

            lax.fori_loop(0, SB * DP, jbody, 0, unroll=2)

        def start_out(k, b):
            s = SB * k
            pltpu.async_copy(O[b].at[:, :, :, pl.ds(0, DP)],
                             out_hbm.at[pl.ds(s, SB), :, wid, :, :], osem[b])

        def wait_out(b):
            pltpu.make_async_copy(O[b].at[:, :, :, pl.ds(0, DP)],
                                  out_hbm.at[pl.ds(0, SB), :, wid, :, :],
                                  osem[b]).wait()

        for i in range(4):
            start_idx(i, i)
        for i in range(3):
            wait_idx(i)
            start_gather(i)

        assert NB % 4 == 0

        def quad_body(g, carry):
            for i in range(4):
                k = 4 * g + i
                wait_gather(i)

                @pl.when(k + 3 < NB)
                def _():
                    wait_idx((i + 3) % 4)
                    start_gather((i + 3) % 4)

                @pl.when(k + 4 < NB)
                def _():
                    start_idx(k + 4, i)

                @pl.when(k >= 2)
                def _():
                    wait_out(i % 2)

                transpose_block_src(i, i % 2)
                start_out(k, i % 2)
            return carry

        lax.fori_loop(0, NB // 4, quad_body, 0, unroll=False)

        wait_out(0)
        wait_out(1)

    xt = x.T
    y = emb_kernel(xt, emb)
    return y.transpose(2, 4, 0, 1, 3).reshape(B, S, D)

# --- scband reference (transcript-rebuilt; emitter-appended) ---
"""Pipeline reference for scband-input-embedding-layer-3083786518919 (READ-ONLY COPY).

The authoritative reference and input builder live on the scoring server;
editing this copy changes nothing except your own understanding.
"""

import jax, jax.numpy as jnp
import numpy as np

VOCAB = 1000000
D_MODEL = 64
B = 4096
S = 200


def setup_inputs(seed: int = 0) -> dict:
    key = jax.random.key(seed)
    k_idx, k_emb = jax.random.split(key)
    x = jax.random.randint(k_idx, (B, S), 0, VOCAB, dtype=jnp.int64 if jax.config.jax_enable_x64 else jnp.int32)
    emb = jax.random.normal(k_emb, (VOCAB, D_MODEL), dtype=jnp.float32)
    return {"x": x, "emb": emb}


def reference(x, emb):
    # nn.Embedding lookup -> gather rows, then scale by sqrt(d_model)
    y = jnp.take(emb, x, axis=0) * (D_MODEL ** 0.5)
    return y

if __name__ == "__main__":
    import jax
    _d = setup_inputs()
    print(jax.jit(kernel)(*tuple(_d.values())))

</pallas_src>

<mosaic_0001>
#map = affine_map<(d0, d1) -> (0, 0)>
#map1 = affine_map<(d0, d1) -> (0, 0, 0, 0, 0)>
module attributes {stable_mosaic.version = 14 : i64} {
  func.func @emb_kernel(%arg0: i32, %arg1: i32, %arg2: memref<200x4096xi32, #tpu.memory_space<hbm>>, %arg3: memref<1000000x64xf32, #tpu.memory_space<hbm>>, %arg4: memref<200x8x32x8x128xf32, #tpu.memory_space<hbm>>, %arg5: memref<256xi32, #tpu.memory_space<vmem>>, %arg6: memref<256xi32, #tpu.memory_space<vmem>>, %arg7: memref<256xi32, #tpu.memory_space<vmem>>, %arg8: memref<256xi32, #tpu.memory_space<vmem>>, %arg9: memref<256x64xf32, #tpu.memory_space<vmem>>, %arg10: memref<256x64xf32, #tpu.memory_space<vmem>>, %arg11: memref<256x64xf32, #tpu.memory_space<vmem>>, %arg12: memref<256x64xf32, #tpu.memory_space<vmem>>, %arg13: memref<2x8x8x129xf32, #tpu.memory_space<vmem>>, %arg14: memref<2x8x8x129xf32, #tpu.memory_space<vmem>>, %arg15: memref<!tpu.dma_semaphore, #tpu.memory_space<semaphore_mem>>, %arg16: memref<!tpu.dma_semaphore, #tpu.memory_space<semaphore_mem>>, %arg17: memref<!tpu.dma_semaphore, #tpu.memory_space<semaphore_mem>>, %arg18: memref<!tpu.dma_semaphore, #tpu.memory_space<semaphore_mem>>, %arg19: memref<!tpu.dma_semaphore, #tpu.memory_space<semaphore_mem>>, %arg20: memref<!tpu.dma_semaphore, #tpu.memory_space<semaphore_mem>>, %arg21: memref<!tpu.dma_semaphore, #tpu.memory_space<semaphore_mem>>, %arg22: memref<!tpu.dma_semaphore, #tpu.memory_space<semaphore_mem>>, %arg23: memref<!tpu.dma_semaphore, #tpu.memory_space<semaphore_mem>>, %arg24: memref<!tpu.dma_semaphore, #tpu.memory_space<semaphore_mem>>) attributes {dimension_semantics = [#tpu.dimension_semantics<core_parallel>, #tpu.dimension_semantics<subcore_parallel>], iteration_bounds = array<i64: 2, 16>, scalar_prefetch = 0 : i64, scratch_operands = 20 : i64, tpu.core_type = #tpu.core_type<sc_vector_subcore>, window_params = [{transform_indices = #map}, {transform_indices = #map}, {transform_indices = #map1}]} {
    %mul3A = arith.constant 2 : i32
    %mul3A_0 = arith.muli %arg1, %mul3A : i32
    %add3A = arith.addi %mul3A_0, %arg0 : i32
    %mul3A_1 = arith.constant 128 : i32
    %mul3A_2 = arith.muli %add3A, %mul3A_1 : i32
    %iota3A = tpu.iota {dimensions = array<i32: 0>} : vector<16xi32>
    %mul3A_3 = arith.constant 0 : i32
    %mul3A_4 = vector.broadcast %mul3A_3 : i32 to vector<16xi32>
    %mul3A_5 = arith.muli %iota3A, %mul3A_4 : vector<16xi32>
    %add3A_6 = arith.constant 0 : i32
    %add3A_7 = vector.broadcast %add3A_6 : i32 to vector<16xi32>
    %add3A_8 = arith.addi %iota3A, %add3A_7 : vector<16xi32>
    %shift_right_logical3A = arith.constant 3 : i32
    %shift_right_logical3A_9 = vector.broadcast %shift_right_logical3A : i32 to vector<16xi32>
    %shift_right_logical3A_10 = arith.shrui %add3A_8, %shift_right_logical3A_9 : vector<16xi32>
    %add3A_11 = arith.constant 16 : i32
    %add3A_12 = vector.broadcast %add3A_11 : i32 to vector<16xi32>
    %add3A_13 = arith.addi %iota3A, %add3A_12 : vector<16xi32>
    %shift_right_logical3A_14 = arith.constant 3 : i32
    %shift_right_logical3A_15 = vector.broadcast %shift_right_logical3A_14 : i32 to vector<16xi32>
    %shift_right_logical3A_16 = arith.shrui %add3A_13, %shift_right_logical3A_15 : vector<16xi32>
    %add3A_17 = arith.constant 32 : i32
    %add3A_18 = vector.broadcast %add3A_17 : i32 to vector<16xi32>
    %add3A_19 = arith.addi %iota3A, %add3A_18 : vector<16xi32>
    %shift_right_logical3A_20 = arith.constant 3 : i32
    %shift_right_logical3A_21 = vector.broadcast %shift_right_logical3A_20 : i32 to vector<16xi32>
    %shift_right_logical3A_22 = arith.shrui %add3A_19, %shift_right_logical3A_21 : vector<16xi32>
    %add3A_23 = arith.constant 48 : i32
    %add3A_24 = vector.broadcast %add3A_23 : i32 to vector<16xi32>
    %add3A_25 = arith.addi %iota3A, %add3A_24 : vector<16xi32>
    %shift_right_logical3A_26 = arith.constant 3 : i32
    %shift_right_logical3A_27 = vector.broadcast %shift_right_logical3A_26 : i32 to vector<16xi32>
    %shift_right_logical3A_28 = arith.shrui %add3A_25, %shift_right_logical3A_27 : vector<16xi32>
    %add3A_29 = arith.constant 0 : i32
    %add3A_30 = vector.broadcast %add3A_29 : i32 to vector<16xi32>
    %add3A_31 = arith.addi %iota3A, %add3A_30 : vector<16xi32>
    %and3A = arith.constant 7 : i32
    %and3A_32 = vector.broadcast %and3A : i32 to vector<16xi32>
    %and3A_33 = arith.andi %add3A_31, %and3A_32 : vector<16xi32>
    %add3A_34 = arith.constant 16 : i32
    %add3A_35 = vector.broadcast %add3A_34 : i32 to vector<16xi32>
    %add3A_36 = arith.addi %iota3A, %add3A_35 : vector<16xi32>
    %and3A_37 = arith.constant 7 : i32
    %and3A_38 = vector.broadcast %and3A_37 : i32 to vector<16xi32>
    %and3A_39 = arith.andi %add3A_36, %and3A_38 : vector<16xi32>
    %add3A_40 = arith.constant 32 : i32
    %add3A_41 = vector.broadcast %add3A_40 : i32 to vector<16xi32>
    %add3A_42 = arith.addi %iota3A, %add3A_41 : vector<16xi32>
    %and3A_43 = arith.constant 7 : i32
    %and3A_44 = vector.broadcast %and3A_43 : i32 to vector<16xi32>
    %and3A_45 = arith.andi %add3A_42, %and3A_44 : vector<16xi32>
    %add3A_46 = arith.constant 48 : i32
    %add3A_47 = vector.broadcast %add3A_46 : i32 to vector<16xi32>
    %add3A_48 = arith.addi %iota3A, %add3A_47 : vector<16xi32>
    %and3A_49 = arith.constant 7 : i32
    %and3A_50 = vector.broadcast %and3A_49 : i32 to vector<16xi32>
    %and3A_51 = arith.andi %add3A_48, %and3A_50 : vector<16xi32>
    %dma_start3A = arith.constant 0 : i32
    %dma_start3A_52 = arith.constant 0 : i32
    %dma_start3A_53 = tpu.memref_slice %arg5[%dma_start3A_52] : memref<256xi32, #tpu.memory_space<vmem>> -> memref<128xi32, #tpu.memory_space<vmem>>
    %dma_start3A_54 = tpu.memref_slice %arg2[%dma_start3A, %mul3A_2] : memref<200x4096xi32, #tpu.memory_space<hbm>> -> memref<1x128xi32, #tpu.memory_space<hbm>>
    %dma_start3A_55 = tpu.memref_squeeze %dma_start3A_54 : memref<1x128xi32, #tpu.memory_space<hbm>> -> memref<128xi32, #tpu.memory_space<hbm>>
    %dma_start3A_56 = arith.constant 0 : i32
    %dma_start3A_57 = tpu.memref_slice %arg5[%dma_start3A_56] : memref<256xi32, #tpu.memory_space<vmem>> -> memref<128xi32, #tpu.memory_space<vmem>>
    %dma_start3A_58 = tpu.memref_slice %arg2[%dma_start3A, %mul3A_2] : memref<200x4096xi32, #tpu.memory_space<hbm>> -> memref<1x128xi32, #tpu.memory_space<hbm>>
    %dma_start3A_59 = tpu.memref_squeeze %dma_start3A_58 : memref<1x128xi32, #tpu.memory_space<hbm>> -> memref<128xi32, #tpu.memory_space<hbm>>
    tpu.enqueue_dma source(%dma_start3A_59 : memref<128xi32, #tpu.memory_space<hbm>>) target(%dma_start3A_57 : memref<128xi32, #tpu.memory_space<vmem>>) target_semaphore(%arg15 : memref<!tpu.dma_semaphore, #tpu.memory_space<semaphore_mem>>)
    %dma_start3A_60 = arith.constant 1 : i32
    %dma_start3A_61 = arith.constant 128 : i32
    %dma_start3A_62 = tpu.memref_slice %arg5[%dma_start3A_61] : memref<256xi32, #tpu.memory_space<vmem>> -> memref<128xi32, #tpu.memory_space<vmem>>
    %dma_start3A_63 = tpu.memref_slice %arg2[%dma_start3A_60, %mul3A_2] : memref<200x4096xi32, #tpu.memory_space<hbm>> -> memref<1x128xi32, #tpu.memory_space<hbm>>
    %dma_start3A_64 = tpu.memref_squeeze %dma_start3A_63 : memref<1x128xi32, #tpu.memory_space<hbm>> -> memref<128xi32, #tpu.memory_space<hbm>>
    %dma_start3A_65 = arith.constant 128 : i32
    %dma_start3A_66 = tpu.memref_slice %arg5[%dma_start3A_65] : memref<256xi32, #tpu.memory_space<vmem>> -> memref<128xi32, #tpu.memory_space<vmem>>
    %dma_start3A_67 = tpu.memref_slice %arg2[%dma_start3A_60, %mul3A_2] : memref<200x4096xi32, #tpu.memory_space<hbm>> -> memref<1x128xi32, #tpu.memory_space<hbm>>
    %dma_start3A_68 = tpu.memref_squeeze %dma_start3A_67 : memref<1x128xi32, #tpu.memory_space<hbm>> -> memref<128xi32, #tpu.memory_space<hbm>>
    tpu.enqueue_dma source(%dma_start3A_68 : memref<128xi32, #tpu.memory_space<hbm>>) target(%dma_start3A_66 : memref<128xi32, #tpu.memory_space<vmem>>) target_semaphore(%arg15 : memref<!tpu.dma_semaphore, #tpu.memory_space<semaphore_mem>>)
    %dma_start3A_69 = arith.constant 2 : i32
    %dma_start3A_70 = arith.constant 0 : i32
    %dma_start3A_71 = tpu.memref_slice %arg6[%dma_start3A_70] : memref<256xi32, #tpu.memory_space<vmem>> -> memref<128xi32, #tpu.memory_space<vmem>>
    %dma_start3A_72 = tpu.memref_slice %arg2[%dma_start3A_69, %mul3A_2] : memref<200x4096xi32, #tpu.memory_space<hbm>> -> memref<1x128xi32, #tpu.memory_space<hbm>>
    %dma_start3A_73 = tpu.memref_squeeze %dma_start3A_72 : memref<1x128xi32, #tpu.memory_space<hbm>> -> memref<128xi32, #tpu.memory_space<hbm>>
    %dma_start3A_74 = arith.constant 0 : i32
    %dma_start3A_75 = tpu.memref_slice %arg6[%dma_start3A_74] : memref<256xi32, #tpu.memory_space<vmem>> -> memref<128xi32, #tpu.memory_space<vmem>>
    %dma_start3A_76 = tpu.memref_slice %arg2[%dma_start3A_69, %mul3A_2] : memref<200x4096xi32, #tpu.memory_space<hbm>> -> memref<1x128xi32, #tpu.memory_space<hbm>>
    %dma_start3A_77 = tpu.memref_squeeze %dma_start3A_76 : memref<1x128xi32, #tpu.memory_space<hbm>> -> memref<128xi32, #tpu.memory_space<hbm>>
    tpu.enqueue_dma source(%dma_start3A_77 : memref<128xi32, #tpu.memory_space<hbm>>) target(%dma_start3A_75 : memref<128xi32, #tpu.memory_space<vmem>>) target_semaphore(%arg16 : memref<!tpu.dma_semaphore, #tpu.memory_space<semaphore_mem>>)
    %dma_start3A_78 = arith.constant 3 : i32
    %dma_start3A_79 = arith.constant 128 : i32
    %dma_start3A_80 = tpu.memref_slice %arg6[%dma_start3A_79] : memref<256xi32, #tpu.memory_space<vmem>> -> memref<128xi32, #tpu.memory_space<vmem>>
    %dma_start3A_81 = tpu.memref_slice %arg2[%dma_start3A_78, %mul3A_2] : memref<200x4096xi32, #tpu.memory_space<hbm>> -> memref<1x128xi32, #tpu.memory_space<hbm>>
    %dma_start3A_82 = tpu.memref_squeeze %dma_start3A_81 : memref<1x128xi32, #tpu.memory_space<hbm>> -> memref<128xi32, #tpu.memory_space<hbm>>
    %dma_start3A_83 = arith.constant 128 : i32
    %dma_start3A_84 = tpu.memref_slice %arg6[%dma_start3A_83] : memref<256xi32, #tpu.memory_space<vmem>> -> memref<128xi32, #tpu.memory_space<vmem>>
    %dma_start3A_85 = tpu.memref_slice %arg2[%dma_start3A_78, %mul3A_2] : memref<200x4096xi32, #tpu.memory_space<hbm>> -> memref<1x128xi32, #tpu.memory_space<hbm>>
    %dma_start3A_86 = tpu.memref_squeeze %dma_start3A_85 : memref<1x128xi32, #tpu.memory_space<hbm>> -> memref<128xi32, #tpu.memory_space<hbm>>
    tpu.enqueue_dma source(%dma_start3A_86 : memref<128xi32, #tpu.memory_space<hbm>>) target(%dma_start3A_84 : memref<128xi32, #tpu.memory_space<vmem>>) target_semaphore(%arg16 : memref<!tpu.dma_semaphore, #tpu.memory_space<semaphore_mem>>)
    %dma_start3A_87 = arith.constant 4 : i32
    %dma_start3A_88 = arith.constant 0 : i32
    %dma_start3A_89 = tpu.memref_slice %arg7[%dma_start3A_88] : memref<256xi32, #tpu.memory_space<vmem>> -> memref<128xi32, #tpu.memory_space<vmem>>
    %dma_start3A_90 = tpu.memref_slice %arg2[%dma_start3A_87, %mul3A_2] : memref<200x4096xi32, #tpu.memory_space<hbm>> -> memref<1x128xi32, #tpu.memory_space<hbm>>
    %dma_start3A_91 = tpu.memref_squeeze %dma_start3A_90 : memref<1x128xi32, #tpu.memory_space<hbm>> -> memref<128xi32, #tpu.memory_space<hbm>>
    %dma_start3A_92 = arith.constant 0 : i32
    %dma_start3A_93 = tpu.memref_slice %arg7[%dma_start3A_92] : memref<256xi32, #tpu.memory_space<vmem>> -> memref<128xi32, #tpu.memory_space<vmem>>
    %dma_start3A_94 = tpu.memref_slice %arg2[%dma_start3A_87, %mul3A_2] : memref<200x4096xi32, #tpu.memory_space<hbm>> -> memref<1x128xi32, #tpu.memory_space<hbm>>
    %dma_start3A_95 = tpu.memref_squeeze %dma_start3A_94 : memref<1x128xi32, #tpu.memory_space<hbm>> -> memref<128xi32, #tpu.memory_space<hbm>>
    tpu.enqueue_dma source(%dma_start3A_95 : memref<128xi32, #tpu.memory_space<hbm>>) target(%dma_start3A_93 : memref<128xi32, #tpu.memory_space<vmem>>) target_semaphore(%arg17 : memref<!tpu.dma_semaphore, #tpu.memory_space<semaphore_mem>>)
    %dma_start3A_96 = arith.constant 5 : i32
    %dma_start3A_97 = arith.constant 128 : i32
    %dma_start3A_98 = tpu.memref_slice %arg7[%dma_start3A_97] : memref<256xi32, #tpu.memory_space<vmem>> -> memref<128xi32, #tpu.memory_space<vmem>>
    %dma_start3A_99 = tpu.memref_slice %arg2[%dma_start3A_96, %mul3A_2] : memref<200x4096xi32, #tpu.memory_space<hbm>> -> memref<1x128xi32, #tpu.memory_space<hbm>>
    %dma_start3A_100 = tpu.memref_squeeze %dma_start3A_99 : memref<1x128xi32, #tpu.memory_space<hbm>> -> memref<128xi32, #tpu.memory_space<hbm>>
    %dma_start3A_101 = arith.constant 128 : i32
    %dma_start3A_102 = tpu.memref_slice %arg7[%dma_start3A_101] : memref<256xi32, #tpu.memory_space<vmem>> -> memref<128xi32, #tpu.memory_space<vmem>>
    %dma_start3A_103 = tpu.memref_slice %arg2[%dma_start3A_96, %mul3A_2] : memref<200x4096xi32, #tpu.memory_space<hbm>> -> memref<1x128xi32, #tpu.memory_space<hbm>>
    %dma_start3A_104 = tpu.memref_squeeze %dma_start3A_103 : memref<1x128xi32, #tpu.memory_space<hbm>> -> memref<128xi32, #tpu.memory_space<hbm>>
    tpu.enqueue_dma source(%dma_start3A_104 : memref<128xi32, #tpu.memory_space<hbm>>) target(%dma_start3A_102 : memref<128xi32, #tpu.memory_space<vmem>>) target_semaphore(%arg17 : memref<!tpu.dma_semaphore, #tpu.memory_space<semaphore_mem>>)
    %dma_start3A_105 = arith.constant 6 : i32
    %dma_start3A_106 = arith.constant 0 : i32
    %dma_start3A_107 = tpu.memref_slice %arg8[%dma_start3A_106] : memref<256xi32, #tpu.memory_space<vmem>> -> memref<128xi32, #tpu.memory_space<vmem>>
    %dma_start3A_108 = tpu.memref_slice %arg2[%dma_start3A_105, %mul3A_2] : memref<200x4096xi32, #tpu.memory_space<hbm>> -> memref<1x128xi32, #tpu.memory_space<hbm>>
    %dma_start3A_109 = tpu.memref_squeeze %dma_start3A_108 : memref<1x128xi32, #tpu.memory_space<hbm>> -> memref<128xi32, #tpu.memory_space<hbm>>
    %dma_start3A_110 = arith.constant 0 : i32
    %dma_start3A_111 = tpu.memref_slice %arg8[%dma_start3A_110] : memref<256xi32, #tpu.memory_space<vmem>> -> memref<128xi32, #tpu.memory_space<vmem>>
    %dma_start3A_112 = tpu.memref_slice %arg2[%dma_start3A_105, %mul3A_2] : memref<200x4096xi32, #tpu.memory_space<hbm>> -> memref<1x128xi32, #tpu.memory_space<hbm>>
    %dma_start3A_113 = tpu.memref_squeeze %dma_start3A_112 : memref<1x128xi32, #tpu.memory_space<hbm>> -> memref<128xi32, #tpu.memory_space<hbm>>
    tpu.enqueue_dma source(%dma_start3A_113 : memref<128xi32, #tpu.memory_space<hbm>>) target(%dma_start3A_111 : memref<128xi32, #tpu.memory_space<vmem>>) target_semaphore(%arg18 : memref<!tpu.dma_semaphore, #tpu.memory_space<semaphore_mem>>)
    %dma_start3A_114 = arith.constant 7 : i32
    %dma_start3A_115 = arith.constant 128 : i32
    %dma_start3A_116 = tpu.memref_slice %arg8[%dma_start3A_115] : memref<256xi32, #tpu.memory_space<vmem>> -> memref<128xi32, #tpu.memory_space<vmem>>
    %dma_start3A_117 = tpu.memref_slice %arg2[%dma_start3A_114, %mul3A_2] : memref<200x4096xi32, #tpu.memory_space<hbm>> -> memref<1x128xi32, #tpu.memory_space<hbm>>
    %dma_start3A_118 = tpu.memref_squeeze %dma_start3A_117 : memref<1x128xi32, #tpu.memory_space<hbm>> -> memref<128xi32, #tpu.memory_space<hbm>>
    %dma_start3A_119 = arith.constant 128 : i32
    %dma_start3A_120 = tpu.memref_slice %arg8[%dma_start3A_119] : memref<256xi32, #tpu.memory_space<vmem>> -> memref<128xi32, #tpu.memory_space<vmem>>
    %dma_start3A_121 = tpu.memref_slice %arg2[%dma_start3A_114, %mul3A_2] : memref<200x4096xi32, #tpu.memory_space<hbm>> -> memref<1x128xi32, #tpu.memory_space<hbm>>
    %dma_start3A_122 = tpu.memref_squeeze %dma_start3A_121 : memref<1x128xi32, #tpu.memory_space<hbm>> -> memref<128xi32, #tpu.memory_space<hbm>>
    tpu.enqueue_dma source(%dma_start3A_122 : memref<128xi32, #tpu.memory_space<hbm>>) target(%dma_start3A_120 : memref<128xi32, #tpu.memory_space<vmem>>) target_semaphore(%arg18 : memref<!tpu.dma_semaphore, #tpu.memory_space<semaphore_mem>>)
    %dma_wait3A = arith.constant 0 : i32
    %dma_wait3A_123 = arith.constant 0 : i32
    %dma_wait3A_124 = tpu.memref_slice %arg5[%dma_wait3A_123] : memref<256xi32, #tpu.memory_space<vmem>> -> memref<128xi32, #tpu.memory_space<vmem>>
    %dma_wait3A_125 = tpu.memref_slice %arg2[%dma_wait3A, %mul3A_2] : memref<200x4096xi32, #tpu.memory_space<hbm>> -> memref<1x128xi32, #tpu.memory_space<hbm>>
    %dma_wait3A_126 = tpu.memref_squeeze %dma_wait3A_125 : memref<1x128xi32, #tpu.memory_space<hbm>> -> memref<128xi32, #tpu.memory_space<hbm>>
    %dma_wait3A_127 = arith.constant 0 : i32
    %dma_wait3A_128 = tpu.memref_slice %arg5[%dma_wait3A_127] : memref<256xi32, #tpu.memory_space<vmem>> -> memref<128xi32, #tpu.memory_space<vmem>>
    %dma_wait3A_129 = tpu.memref_slice %arg2[%dma_wait3A, %mul3A_2] : memref<200x4096xi32, #tpu.memory_space<hbm>> -> memref<1x128xi32, #tpu.memory_space<hbm>>
    %dma_wait3A_130 = tpu.memref_squeeze %dma_wait3A_129 : memref<1x128xi32, #tpu.memory_space<hbm>> -> memref<128xi32, #tpu.memory_space<hbm>>
    tpu.wait_dma2 semaphore(%arg15 : memref<!tpu.dma_semaphore, #tpu.memory_space<semaphore_mem>>) src(%dma_wait3A_130 : memref<128xi32, #tpu.memory_space<hbm>>) dst(%dma_wait3A_128 : memref<128xi32, #tpu.memory_space<vmem>>)
    %dma_wait3A_131 = arith.constant 0 : i32
    %dma_wait3A_132 = arith.constant 128 : i32
    %dma_wait3A_133 = tpu.memref_slice %arg5[%dma_wait3A_132] : memref<256xi32, #tpu.memory_space<vmem>> -> memref<128xi32, #tpu.memory_space<vmem>>
    %dma_wait3A_134 = tpu.memref_slice %arg2[%dma_wait3A_131, %mul3A_2] : memref<200x4096xi32, #tpu.memory_space<hbm>> -> memref<1x128xi32, #tpu.memory_space<hbm>>
    %dma_wait3A_135 = tpu.memref_squeeze %dma_wait3A_134 : memref<1x128xi32, #tpu.memory_space<hbm>> -> memref<128xi32, #tpu.memory_space<hbm>>
    %dma_wait3A_136 = arith.constant 128 : i32
    %dma_wait3A_137 = tpu.memref_slice %arg5[%dma_wait3A_136] : memref<256xi32, #tpu.memory_space<vmem>> -> memref<128xi32, #tpu.memory_space<vmem>>
    %dma_wait3A_138 = tpu.memref_slice %arg2[%dma_wait3A_131, %mul3A_2] : memref<200x4096xi32, #tpu.memory_space<hbm>> -> memref<1x128xi32, #tpu.memory_space<hbm>>
    %dma_wait3A_139 = tpu.memref_squeeze %dma_wait3A_138 : memref<1x128xi32, #tpu.memory_space<hbm>> -> memref<128xi32, #tpu.memory_space<hbm>>
    tpu.wait_dma2 semaphore(%arg15 : memref<!tpu.dma_semaphore, #tpu.memory_space<semaphore_mem>>) src(%dma_wait3A_139 : memref<128xi32, #tpu.memory_space<hbm>>) dst(%dma_wait3A_137 : memref<128xi32, #tpu.memory_space<vmem>>)
    %dma_start3A_140 = arith.constant 0 : i32
    %dma_start3A_141 = arith.constant 0 : i32
    %dma_start3A_142 = tpu.memref_slice %arg3[%dma_start3A_140, %dma_start3A_141] : memref<1000000x64xf32, #tpu.memory_space<hbm>> -> memref<1000000x64xf32, #tpu.memory_space<hbm>>
    tpu.enqueue_indirect_dma source(%dma_start3A_142 : memref<1000000x64xf32, #tpu.memory_space<hbm>>) target(%arg9 : memref<256x64xf32, #tpu.memory_space<vmem>>) offsets(%arg5 : memref<256xi32, #tpu.memory_space<vmem>>) semaphore(%arg19 : memref<!tpu.dma_semaphore, #tpu.memory_space<semaphore_mem>>)
    %dma_wait3A_143 = arith.constant 0 : i32
    %dma_wait3A_144 = arith.constant 0 : i32
    %dma_wait3A_145 = tpu.memref_slice %arg6[%dma_wait3A_144] : memref<256xi32, #tpu.memory_space<vmem>> -> memref<128xi32, #tpu.memory_space<vmem>>
    %dma_wait3A_146 = tpu.memref_slice %arg2[%dma_wait3A_143, %mul3A_2] : memref<200x4096xi32, #tpu.memory_space<hbm>> -> memref<1x128xi32, #tpu.memory_space<hbm>>
    %dma_wait3A_147 = tpu.memref_squeeze %dma_wait3A_146 : memref<1x128xi32, #tpu.memory_space<hbm>> -> memref<128xi32, #tpu.memory_space<hbm>>
    %dma_wait3A_148 = arith.constant 0 : i32
    %dma_wait3A_149 = tpu.memref_slice %arg6[%dma_wait3A_148] : memref<256xi32, #tpu.memory_space<vmem>> -> memref<128xi32, #tpu.memory_space<vmem>>
    %dma_wait3A_150 = tpu.memref_slice %arg2[%dma_wait3A_143, %mul3A_2] : memref<200x4096xi32, #tpu.memory_space<hbm>> -> memref<1x128xi32, #tpu.memory_space<hbm>>
    %dma_wait3A_151 = tpu.memref_squeeze %dma_wait3A_150 : memref<1x128xi32, #tpu.memory_space<hbm>> -> memref<128xi32, #tpu.memory_space<hbm>>
    tpu.wait_dma2 semaphore(%arg16 : memref<!tpu.dma_semaphore, #tpu.memory_space<semaphore_mem>>) src(%dma_wait3A_151 : memref<128xi32, #tpu.memory_space<hbm>>) dst(%dma_wait3A_149 : memref<128xi32, #tpu.memory_space<vmem>>)
    %dma_wait3A_152 = arith.constant 0 : i32
    %dma_wait3A_153 = arith.constant 128 : i32
    %dma_wait3A_154 = tpu.memref_slice %arg6[%dma_wait3A_153] : memref<256xi32, #tpu.memory_space<vmem>> -> memref<128xi32, #tpu.memory_space<vmem>>
    %dma_wait3A_155 = tpu.memref_slice %arg2[%dma_wait3A_152, %mul3A_2] : memref<200x4096xi32, #tpu.memory_space<hbm>> -> memref<1x128xi32, #tpu.memory_space<hbm>>
    %dma_wait3A_156 = tpu.memref_squeeze %dma_wait3A_155 : memref<1x128xi32, #tpu.memory_space<hbm>> -> memref<128xi32, #tpu.memory_space<hbm>>
    %dma_wait3A_157 = arith.constant 128 : i32
    %dma_wait3A_158 = tpu.memref_slice %arg6[%dma_wait3A_157] : memref<256xi32, #tpu.memory_space<vmem>> -> memref<128xi32, #tpu.memory_space<vmem>>
    %dma_wait3A_159 = tpu.memref_slice %arg2[%dma_wait3A_152, %mul3A_2] : memref<200x4096xi32, #tpu.memory_space<hbm>> -> memref<1x128xi32, #tpu.memory_space<hbm>>
    %dma_wait3A_160 = tpu.memref_squeeze %dma_wait3A_159 : memref<1x128xi32, #tpu.memory_space<hbm>> -> memref<128xi32, #tpu.memory_space<hbm>>
    tpu.wait_dma2 semaphore(%arg16 : memref<!tpu.dma_semaphore, #tpu.memory_space<semaphore_mem>>) src(%dma_wait3A_160 : memref<128xi32, #tpu.memory_space<hbm>>) dst(%dma_wait3A_158 : memref<128xi32, #tpu.memory_space<vmem>>)
    %dma_start3A_161 = arith.constant 0 : i32
    %dma_start3A_162 = arith.constant 0 : i32
    %dma_start3A_163 = tpu.memref_slice %arg3[%dma_start3A_161, %dma_start3A_162] : memref<1000000x64xf32, #tpu.memory_space<hbm>> -> memref<1000000x64xf32, #tpu.memory_space<hbm>>
    tpu.enqueue_indirect_dma source(%dma_start3A_163 : memref<1000000x64xf32, #tpu.memory_space<hbm>>) target(%arg10 : memref<256x64xf32, #tpu.memory_space<vmem>>) offsets(%arg6 : memref<256xi32, #tpu.memory_space<vmem>>) semaphore(%arg20 : memref<!tpu.dma_semaphore, #tpu.memory_space<semaphore_mem>>)
    %dma_wait3A_164 = arith.constant 0 : i32
    %dma_wait3A_165 = arith.constant 0 : i32
    %dma_wait3A_166 = tpu.memref_slice %arg7[%dma_wait3A_165] : memref<256xi32, #tpu.memory_space<vmem>> -> memref<128xi32, #tpu.memory_space<vmem>>
    %dma_wait3A_167 = tpu.memref_slice %arg2[%dma_wait3A_164, %mul3A_2] : memref<200x4096xi32, #tpu.memory_space<hbm>> -> memref<1x128xi32, #tpu.memory_space<hbm>>
    %dma_wait3A_168 = tpu.memref_squeeze %dma_wait3A_167 : memref<1x128xi32, #tpu.memory_space<hbm>> -> memref<128xi32, #tpu.memory_space<hbm>>
    %dma_wait3A_169 = arith.constant 0 : i32
    %dma_wait3A_170 = tpu.memref_slice %arg7[%dma_wait3A_169] : memref<256xi32, #tpu.memory_space<vmem>> -> memref<128xi32, #tpu.memory_space<vmem>>
    %dma_wait3A_171 = tpu.memref_slice %arg2[%dma_wait3A_164, %mul3A_2] : memref<200x4096xi32, #tpu.memory_space<hbm>> -> memref<1x128xi32, #tpu.memory_space<hbm>>
    %dma_wait3A_172 = tpu.memref_squeeze %dma_wait3A_171 : memref<1x128xi32, #tpu.memory_space<hbm>> -> memref<128xi32, #tpu.memory_space<hbm>>
    tpu.wait_dma2 semaphore(%arg17 : memref<!tpu.dma_semaphore, #tpu.memory_space<semaphore_mem>>) src(%dma_wait3A_172 : memref<128xi32, #tpu.memory_space<hbm>>) dst(%dma_wait3A_170 : memref<128xi32, #tpu.memory_space<vmem>>)
    %dma_wait3A_173 = arith.constant 0 : i32
    %dma_wait3A_174 = arith.constant 128 : i32
    %dma_wait3A_175 = tpu.memref_slice %arg7[%dma_wait3A_174] : memref<256xi32, #tpu.memory_space<vmem>> -> memref<128xi32, #tpu.memory_space<vmem>>
    %dma_wait3A_176 = tpu.memref_slice %arg2[%dma_wait3A_173, %mul3A_2] : memref<200x4096xi32, #tpu.memory_space<hbm>> -> memref<1x128xi32, #tpu.memory_space<hbm>>
    %dma_wait3A_177 = tpu.memref_squeeze %dma_wait3A_176 : memref<1x128xi32, #tpu.memory_space<hbm>> -> memref<128xi32, #tpu.memory_space<hbm>>
    %dma_wait3A_178 = arith.constant 128 : i32
    %dma_wait3A_179 = tpu.memref_slice %arg7[%dma_wait3A_178] : memref<256xi32, #tpu.memory_space<vmem>> -> memref<128xi32, #tpu.memory_space<vmem>>
    %dma_wait3A_180 = tpu.memref_slice %arg2[%dma_wait3A_173, %mul3A_2] : memref<200x4096xi32, #tpu.memory_space<hbm>> -> memref<1x128xi32, #tpu.memory_space<hbm>>
    %dma_wait3A_181 = tpu.memref_squeeze %dma_wait3A_180 : memref<1x128xi32, #tpu.memory_space<hbm>> -> memref<128xi32, #tpu.memory_space<hbm>>
    tpu.wait_dma2 semaphore(%arg17 : memref<!tpu.dma_semaphore, #tpu.memory_space<semaphore_mem>>) src(%dma_wait3A_181 : memref<128xi32, #tpu.memory_space<hbm>>) dst(%dma_wait3A_179 : memref<128xi32, #tpu.memory_space<vmem>>)
    %dma_start3A_182 = arith.constant 0 : i32
    %dma_start3A_183 = arith.constant 0 : i32
    %dma_start3A_184 = tpu.memref_slice %arg3[%dma_start3A_182, %dma_start3A_183] : memref<1000000x64xf32, #tpu.memory_space<hbm>> -> memref<1000000x64xf32, #tpu.memory_space<hbm>>
    tpu.enqueue_indirect_dma source(%dma_start3A_184 : memref<1000000x64xf32, #tpu.memory_space<hbm>>) target(%arg11 : memref<256x64xf32, #tpu.memory_space<vmem>>) offsets(%arg7 : memref<256xi32, #tpu.memory_space<vmem>>) semaphore(%arg21 : memref<!tpu.dma_semaphore, #tpu.memory_space<semaphore_mem>>)
    %scan3A = arith.constant 0 : i32
    %scan3A_185 = arith.constant 0 : i32
    %scan3A_186 = arith.constant 25 : i32
    %scan3A_187 = arith.addi %scan3A_185, %scan3A_186 : i32
    %scan3A_188 = arith.constant 1 : i32
    scf.for %scan3A_234 = %scan3A_185 to %scan3A_187 step %scan3A_188  : i32 {
      %mul3A_235 = arith.constant 4 : i32
      %mul3A_236 = arith.muli %mul3A_235, %scan3A_234 : i32
      %add3A_237 = arith.constant 0 : i32
      %add3A_238 = arith.addi %mul3A_236, %add3A_237 : i32
      %dma_wait3A_239 = arith.constant 0 : i32
      %dma_wait3A_240 = arith.constant 0 : i32
      %dma_wait3A_241 = tpu.memref_slice %arg3[%dma_wait3A_239, %dma_wait3A_240] : memref<1000000x64xf32, #tpu.memory_space<hbm>> -> memref<1000000x64xf32, #tpu.memory_space<hbm>>
      tpu.wait_indirect_dma semaphore(%arg19 : memref<!tpu.dma_semaphore, #tpu.memory_space<semaphore_mem>>) src(%dma_wait3A_241 : memref<1000000x64xf32, #tpu.memory_space<hbm>>) dst(%arg9 : memref<256x64xf32, #tpu.memory_space<vmem>>)
      %add3A_242 = arith.constant 3 : i32
      %add3A_243 = arith.addi %add3A_238, %add3A_242 : i32
      %lt3A = arith.constant 100 : i32
      %lt3A_244 = arith.cmpi slt, %add3A_243, %lt3A : i32
      %convert_element_type3A = arith.extui %lt3A_244 : i1 to i32
      %cond3A = arith.constant 0 : i32
      %cond3A_245 = arith.cmpi ne, %convert_element_type3A, %cond3A : i32
      scf.if %cond3A_245 {
        %dma_wait3A_447 = arith.constant 0 : i32
        %dma_wait3A_448 = arith.constant 0 : i32
        %dma_wait3A_449 = tpu.memref_slice %arg8[%dma_wait3A_448] : memref<256xi32, #tpu.memory_space<vmem>> -> memref<128xi32, #tpu.memory_space<vmem>>
        %dma_wait3A_450 = tpu.memref_slice %arg2[%dma_wait3A_447, %mul3A_2] : memref<200x4096xi32, #tpu.memory_space<hbm>> -> memref<1x128xi32, #tpu.memory_space<hbm>>
        %dma_wait3A_451 = tpu.memref_squeeze %dma_wait3A_450 : memref<1x128xi32, #tpu.memory_space<hbm>> -> memref<128xi32, #tpu.memory_space<hbm>>
        %dma_wait3A_452 = arith.constant 0 : i32
        %dma_wait3A_453 = tpu.memref_slice %arg8[%dma_wait3A_452] : memref<256xi32, #tpu.memory_space<vmem>> -> memref<128xi32, #tpu.memory_space<vmem>>
        %dma_wait3A_454 = tpu.memref_slice %arg2[%dma_wait3A_447, %mul3A_2] : memref<200x4096xi32, #tpu.memory_space<hbm>> -> memref<1x128xi32, #tpu.memory_space<hbm>>
        %dma_wait3A_455 = tpu.memref_squeeze %dma_wait3A_454 : memref<1x128xi32, #tpu.memory_space<hbm>> -> memref<128xi32, #tpu.memory_space<hbm>>
        tpu.wait_dma2 semaphore(%arg18 : memref<!tpu.dma_semaphore, #tpu.memory_space<semaphore_mem>>) src(%dma_wait3A_455 : memref<128xi32, #tpu.memory_space<hbm>>) dst(%dma_wait3A_453 : memref<128xi32, #tpu.memory_space<vmem>>)
        %dma_wait3A_456 = arith.constant 0 : i32
        %dma_wait3A_457 = arith.constant 128 : i32
        %dma_wait3A_458 = tpu.memref_slice %arg8[%dma_wait3A_457] : memref<256xi32, #tpu.memory_space<vmem>> -> memref<128xi32, #tpu.memory_space<vmem>>
        %dma_wait3A_459 = tpu.memref_slice %arg2[%dma_wait3A_456, %mul3A_2] : memref<200x4096xi32, #tpu.memory_space<hbm>> -> memref<1x128xi32, #tpu.memory_space<hbm>>
        %dma_wait3A_460 = tpu.memref_squeeze %dma_wait3A_459 : memref<1x128xi32, #tpu.memory_space<hbm>> -> memref<128xi32, #tpu.memory_space<hbm>>
        %dma_wait3A_461 = arith.constant 128 : i32
        %dma_wait3A_462 = tpu.memref_slice %arg8[%dma_wait3A_461] : memref<256xi32, #tpu.memory_space<vmem>> -> memref<128xi32, #tpu.memory_space<vmem>>
        %dma_wait3A_463 = tpu.memref_slice %arg2[%dma_wait3A_456, %mul3A_2] : memref<200x4096xi32, #tpu.memory_space<hbm>> -> memref<1x128xi32, #tpu.memory_space<hbm>>
        %dma_wait3A_464 = tpu.memref_squeeze %dma_wait3A_463 : memref<1x128xi32, #tpu.memory_space<hbm>> -> memref<128xi32, #tpu.memory_space<hbm>>
        tpu.wait_dma2 semaphore(%arg18 : memref<!tpu.dma_semaphore, #tpu.memory_space<semaphore_mem>>) src(%dma_wait3A_464 : memref<128xi32, #tpu.memory_space<hbm>>) dst(%dma_wait3A_462 : memref<128xi32, #tpu.memory_space<vmem>>)
        %dma_start3A_465 = arith.constant 0 : i32
        %dma_start3A_466 = arith.constant 0 : i32
        %dma_start3A_467 = tpu.memref_slice %arg3[%dma_start3A_465, %dma_start3A_466] : memref<1000000x64xf32, #tpu.memory_space<hbm>> -> memref<1000000x64xf32, #tpu.memory_space<hbm>>
        tpu.enqueue_indirect_dma source(%dma_start3A_467 : memref<1000000x64xf32, #tpu.memory_space<hbm>>) target(%arg12 : memref<256x64xf32, #tpu.memory_space<vmem>>) offsets(%arg8 : memref<256xi32, #tpu.memory_space<vmem>>) semaphore(%arg22 : memref<!tpu.dma_semaphore, #tpu.memory_space<semaphore_mem>>)
      } else {
      }
      %add3A_246 = arith.constant 4 : i32
      %add3A_247 = arith.addi %add3A_238, %add3A_246 : i32
      %lt3A_248 = arith.constant 100 : i32
      %lt3A_249 = arith.cmpi slt, %add3A_247, %lt3A_248 : i32
      %convert_element_type3A_250 = arith.extui %lt3A_249 : i1 to i32
      %cond3A_251 = arith.constant 0 : i32
      %cond3A_252 = arith.cmpi ne, %convert_element_type3A_250, %cond3A_251 : i32
      scf.if %cond3A_252 {
        %add3A_447 = arith.constant 4 : i32
        %add3A_448 = arith.addi %add3A_238, %add3A_447 : i32
        %mul3A_449 = arith.constant 2 : i32
        %mul3A_450 = arith.muli %mul3A_449, %add3A_448 : i32
        %add3A_451 = arith.constant 0 : i32
        %add3A_452 = arith.addi %mul3A_450, %add3A_451 : i32
        %dma_start3A_453 = arith.constant 0 : i32
        %dma_start3A_454 = tpu.memref_slice %arg5[%dma_start3A_453] : memref<256xi32, #tpu.memory_space<vmem>> -> memref<128xi32, #tpu.memory_space<vmem>>
        %dma_start3A_455 = tpu.memref_slice %arg2[%add3A_452, %mul3A_2] : memref<200x4096xi32, #tpu.memory_space<hbm>> -> memref<1x128xi32, #tpu.memory_space<hbm>>
        %dma_start3A_456 = tpu.memref_squeeze %dma_start3A_455 : memref<1x128xi32, #tpu.memory_space<hbm>> -> memref<128xi32, #tpu.memory_space<hbm>>
        %dma_start3A_457 = arith.constant 0 : i32
        %dma_start3A_458 = tpu.memref_slice %arg5[%dma_start3A_457] : memref<256xi32, #tpu.memory_space<vmem>> -> memref<128xi32, #tpu.memory_space<vmem>>
        %dma_start3A_459 = tpu.memref_slice %arg2[%add3A_452, %mul3A_2] : memref<200x4096xi32, #tpu.memory_space<hbm>> -> memref<1x128xi32, #tpu.memory_space<hbm>>
        %dma_start3A_460 = tpu.memref_squeeze %dma_start3A_459 : memref<1x128xi32, #tpu.memory_space<hbm>> -> memref<128xi32, #tpu.memory_space<hbm>>
        tpu.enqueue_dma source(%dma_start3A_460 : memref<128xi32, #tpu.memory_space<hbm>>) target(%dma_start3A_458 : memref<128xi32, #tpu.memory_space<vmem>>) target_semaphore(%arg15 : memref<!tpu.dma_semaphore, #tpu.memory_space<semaphore_mem>>)
        %add3A_461 = arith.constant 1 : i32
        %add3A_462 = arith.addi %mul3A_450, %add3A_461 : i32
        %dma_start3A_463 = arith.constant 128 : i32
        %dma_start3A_464 = tpu.memref_slice %arg5[%dma_start3A_463] : memref<256xi32, #tpu.memory_space<vmem>> -> memref<128xi32, #tpu.memory_space<vmem>>
        %dma_start3A_465 = tpu.memref_slice %arg2[%add3A_462, %mul3A_2] : memref<200x4096xi32, #tpu.memory_space<hbm>> -> memref<1x128xi32, #tpu.memory_space<hbm>>
        %dma_start3A_466 = tpu.memref_squeeze %dma_start3A_465 : memref<1x128xi32, #tpu.memory_space<hbm>> -> memref<128xi32, #tpu.memory_space<hbm>>
        %dma_start3A_467 = arith.constant 128 : i32
        %dma_start3A_468 = tpu.memref_slice %arg5[%dma_start3A_467] : memref<256xi32, #tpu.memory_space<vmem>> -> memref<128xi32, #tpu.memory_space<vmem>>
        %dma_start3A_469 = tpu.memref_slice %arg2[%add3A_462, %mul3A_2] : memref<200x4096xi32, #tpu.memory_space<hbm>> -> memref<1x128xi32, #tpu.memory_space<hbm>>
        %dma_start3A_470 = tpu.memref_squeeze %dma_start3A_469 : memref<1x128xi32, #tpu.memory_space<hbm>> -> memref<128xi32, #tpu.memory_space<hbm>>
        tpu.enqueue_dma source(%dma_start3A_470 : memref<128xi32, #tpu.memory_space<hbm>>) target(%dma_start3A_468 : memref<128xi32, #tpu.memory_space<vmem>>) target_semaphore(%arg15 : memref<!tpu.dma_semaphore, #tpu.memory_space<semaphore_mem>>)
      } else {
      }
      %ge3A = arith.constant 2 : i32
      %ge3A_253 = arith.cmpi sge, %add3A_238, %ge3A : i32
      %convert_element_type3A_254 = arith.extui %ge3A_253 : i1 to i32
      %cond3A_255 = arith.constant 0 : i32
      %cond3A_256 = arith.cmpi ne, %convert_element_type3A_254, %cond3A_255 : i32
      scf.if %cond3A_256 {
        %dma_wait3A_447 = arith.constant 0 : i32
        %dma_wait3A_448 = arith.constant 0 : i32
        %dma_wait3A_449 = arith.constant 0 : i32
        %dma_wait3A_450 = arith.constant 0 : i32
        %dma_wait3A_451 = tpu.memref_slice %arg13[%dma_wait3A_447, %dma_wait3A_448, %dma_wait3A_449, %dma_wait3A_450] : memref<2x8x8x129xf32, #tpu.memory_space<vmem>> -> memref<2x8x8x128xf32, #tpu.memory_space<vmem>>
        %dma_wait3A_452 = arith.constant 0 : i32
        %dma_wait3A_453 = arith.constant 0 : i32
        %dma_wait3A_454 = arith.constant 0 : i32
        %dma_wait3A_455 = arith.constant 0 : i32
        %dma_wait3A_456 = tpu.memref_slice %arg4[%dma_wait3A_452, %dma_wait3A_453, %add3A, %dma_wait3A_454, %dma_wait3A_455] : memref<200x8x32x8x128xf32, #tpu.memory_space<hbm>> -> memref<2x8x1x8x128xf32, #tpu.memory_space<hbm>>
        %dma_wait3A_457 = tpu.memref_squeeze %dma_wait3A_456 : memref<2x8x1x8x128xf32, #tpu.memory_space<hbm>> -> memref<2x8x8x128xf32, #tpu.memory_space<hbm>>
        %dma_wait3A_458 = arith.constant 0 : i32
        %dma_wait3A_459 = arith.constant 0 : i32
        %dma_wait3A_460 = arith.constant 0 : i32
        %dma_wait3A_461 = arith.constant 0 : i32
        %dma_wait3A_462 = tpu.memref_slice %arg4[%dma_wait3A_458, %dma_wait3A_459, %add3A, %dma_wait3A_460, %dma_wait3A_461] : memref<200x8x32x8x128xf32, #tpu.memory_space<hbm>> -> memref<2x8x1x8x128xf32, #tpu.memory_space<hbm>>
        %dma_wait3A_463 = tpu.memref_squeeze %dma_wait3A_462 : memref<2x8x1x8x128xf32, #tpu.memory_space<hbm>> -> memref<2x8x8x128xf32, #tpu.memory_space<hbm>>
        %dma_wait3A_464 = arith.constant 0 : i32
        %dma_wait3A_465 = arith.constant 0 : i32
        %dma_wait3A_466 = arith.constant 0 : i32
        %dma_wait3A_467 = arith.constant 0 : i32
        %dma_wait3A_468 = tpu.memref_slice %arg13[%dma_wait3A_464, %dma_wait3A_465, %dma_wait3A_466, %dma_wait3A_467] : memref<2x8x8x129xf32, #tpu.memory_space<vmem>> -> memref<2x8x8x128xf32, #tpu.memory_space<vmem>>
        tpu.wait_dma2 semaphore(%arg23 : memref<!tpu.dma_semaphore, #tpu.memory_space<semaphore_mem>>) src(%dma_wait3A_468 : memref<2x8x8x128xf32, #tpu.memory_space<vmem>>) dst(%dma_wait3A_463 : memref<2x8x8x128xf32, #tpu.memory_space<hbm>>)
      } else {
      }
      %scan3A_257 = arith.constant 0 : i32
      %scan3A_258 = arith.constant 0 : i32
      %scan3A_259 = arith.constant 256 : i32
      %scan3A_260 = arith.addi %scan3A_258, %scan3A_259 : i32
      %scan3A_261 = arith.constant 2 : i32
      scf.for %scan3A_447 = %scan3A_258 to %scan3A_260 step %scan3A_261  : i32 {
        %shift_right_arithmetic3A = arith.constant 7 : i32
        %shift_right_arithmetic3A_448 = arith.shrsi %scan3A_447, %shift_right_arithmetic3A : i32
        %add3A_449 = vector.broadcast %shift_right_arithmetic3A_448 : i32 to vector<16xi32>
        %add3A_450 = arith.addi %mul3A_5, %add3A_449 : vector<16xi32>
        %and3A_451 = arith.constant 127 : i32
        %and3A_452 = arith.andi %scan3A_447, %and3A_451 : i32
        %add3A_453 = vector.broadcast %and3A_452 : i32 to vector<16xi32>
        %add3A_454 = arith.addi %mul3A_5, %add3A_453 : vector<16xi32>
        %get3A = arith.index_cast %scan3A_447 : i32 to index
        %get3A_455 = arith.constant 0 : index
        %get3A_456 = tpu.vector_load %arg9[%get3A, %get3A_455] {strides = array<i32>} : memref<256x64xf32, #tpu.memory_space<vmem>>, vector<16xf32>,
        %mul3A_457 = arith.constant 8.000000e+00 : f32
        %mul3A_458 = vector.broadcast %mul3A_457 : f32 to vector<16xf32>
        %mul3A_459 = arith.mulf %get3A_456, %mul3A_458 : vector<16xf32>
        %get3A_460 = arith.index_cast %scan3A_447 : i32 to index
        %get3A_461 = arith.constant 16 : index
        %get3A_462 = tpu.vector_load %arg9[%get3A_460, %get3A_461] {strides = array<i32>} : memref<256x64xf32, #tpu.memory_space<vmem>>, vector<16xf32>,
        %mul3A_463 = arith.constant 8.000000e+00 : f32
        %mul3A_464 = vector.broadcast %mul3A_463 : f32 to vector<16xf32>
        %mul3A_465 = arith.mulf %get3A_462, %mul3A_464 : vector<16xf32>
        %get3A_466 = arith.index_cast %scan3A_447 : i32 to index
        %get3A_467 = arith.constant 32 : index
        %get3A_468 = tpu.vector_load %arg9[%get3A_466, %get3A_467] {strides = array<i32>} : memref<256x64xf32, #tpu.memory_space<vmem>>, vector<16xf32>,
        %mul3A_469 = arith.constant 8.000000e+00 : f32
        %mul3A_470 = vector.broadcast %mul3A_469 : f32 to vector<16xf32>
        %mul3A_471 = arith.mulf %get3A_468, %mul3A_470 : vector<16xf32>
        %get3A_472 = arith.index_cast %scan3A_447 : i32 to index
        %get3A_473 = arith.constant 48 : index
        %get3A_474 = tpu.vector_load %arg9[%get3A_472, %get3A_473] {strides = array<i32>} : memref<256x64xf32, #tpu.memory_space<vmem>>, vector<16xf32>,
        %mul3A_475 = arith.constant 8.000000e+00 : f32
        %mul3A_476 = vector.broadcast %mul3A_475 : f32 to vector<16xf32>
        %mul3A_477 = arith.mulf %get3A_474, %mul3A_476 : vector<16xf32>
        tpu.vector_store_idx %arg13[%add3A_450, %shift_right_logical3A_10, %and3A_33, %add3A_454], %mul3A_459 : memref<2x8x8x129xf32, #tpu.memory_space<vmem>>[vector<16xi32>, vector<16xi32>, vector<16xi32>, vector<16xi32>], vector<16xf32>,
        tpu.vector_store_idx %arg13[%add3A_450, %shift_right_logical3A_16, %and3A_39, %add3A_454], %mul3A_465 : memref<2x8x8x129xf32, #tpu.memory_space<vmem>>[vector<16xi32>, vector<16xi32>, vector<16xi32>, vector<16xi32>], vector<16xf32>,
        tpu.vector_store_idx %arg13[%add3A_450, %shift_right_logical3A_22, %and3A_45, %add3A_454], %mul3A_471 : memref<2x8x8x129xf32, #tpu.memory_space<vmem>>[vector<16xi32>, vector<16xi32>, vector<16xi32>, vector<16xi32>], vector<16xf32>,
        tpu.vector_store_idx %arg13[%add3A_450, %shift_right_logical3A_28, %and3A_51, %add3A_454], %mul3A_477 : memref<2x8x8x129xf32, #tpu.memory_space<vmem>>[vector<16xi32>, vector<16xi32>, vector<16xi32>, vector<16xi32>], vector<16xf32>,
        %scan3A_478 = arith.constant 1 : i32
        %scan3A_479 = arith.addi %scan3A_447, %scan3A_478 : i32
        %shift_right_arithmetic3A_480 = arith.constant 7 : i32
        %shift_right_arithmetic3A_481 = arith.shrsi %scan3A_479, %shift_right_arithmetic3A_480 : i32
        %add3A_482 = vector.broadcast %shift_right_arithmetic3A_481 : i32 to vector<16xi32>
        %add3A_483 = arith.addi %mul3A_5, %add3A_482 : vector<16xi32>
        %and3A_484 = arith.constant 127 : i32
        %and3A_485 = arith.andi %scan3A_479, %and3A_484 : i32
        %add3A_486 = vector.broadcast %and3A_485 : i32 to vector<16xi32>
        %add3A_487 = arith.addi %mul3A_5, %add3A_486 : vector<16xi32>
        %get3A_488 = arith.index_cast %scan3A_479 : i32 to index
        %get3A_489 = arith.constant 0 : index
        %get3A_490 = tpu.vector_load %arg9[%get3A_488, %get3A_489] {strides = array<i32>} : memref<256x64xf32, #tpu.memory_space<vmem>>, vector<16xf32>,
        %mul3A_491 = arith.constant 8.000000e+00 : f32
        %mul3A_492 = vector.broadcast %mul3A_491 : f32 to vector<16xf32>
        %mul3A_493 = arith.mulf %get3A_490, %mul3A_492 : vector<16xf32>
        %get3A_494 = arith.index_cast %scan3A_479 : i32 to index
        %get3A_495 = arith.constant 16 : index
        %get3A_496 = tpu.vector_load %arg9[%get3A_494, %get3A_495] {strides = array<i32>} : memref<256x64xf32, #tpu.memory_space<vmem>>, vector<16xf32>,
        %mul3A_497 = arith.constant 8.000000e+00 : f32
        %mul3A_498 = vector.broadcast %mul3A_497 : f32 to vector<16xf32>
        %mul3A_499 = arith.mulf %get3A_496, %mul3A_498 : vector<16xf32>
        %get3A_500 = arith.index_cast %scan3A_479 : i32 to index
        %get3A_501 = arith.constant 32 : index
        %get3A_502 = tpu.vector_load %arg9[%get3A_500, %get3A_501] {strides = array<i32>} : memref<256x64xf32, #tpu.memory_space<vmem>>, vector<16xf32>,
        %mul3A_503 = arith.constant 8.000000e+00 : f32
        %mul3A_504 = vector.broadcast %mul3A_503 : f32 to vector<16xf32>
        %mul3A_505 = arith.mulf %get3A_502, %mul3A_504 : vector<16xf32>
        %get3A_506 = arith.index_cast %scan3A_479 : i32 to index
        %get3A_507 = arith.constant 48 : index
        %get3A_508 = tpu.vector_load %arg9[%get3A_506, %get3A_507] {strides = array<i32>} : memref<256x64xf32, #tpu.memory_space<vmem>>, vector<16xf32>,
        %mul3A_509 = arith.constant 8.000000e+00 : f32
        %mul3A_510 = vector.broadcast %mul3A_509 : f32 to vector<16xf32>
        %mul3A_511 = arith.mulf %get3A_508, %mul3A_510 : vector<16xf32>
        tpu.vector_store_idx %arg13[%add3A_483, %shift_right_logical3A_10, %and3A_33, %add3A_487], %mul3A_493 : memref<2x8x8x129xf32, #tpu.memory_space<vmem>>[vector<16xi32>, vector<16xi32>, vector<16xi32>, vector<16xi32>], vector<16xf32>,
        tpu.vector_store_idx %arg13[%add3A_483, %shift_right_logical3A_16, %and3A_39, %add3A_487], %mul3A_499 : memref<2x8x8x129xf32, #tpu.memory_space<vmem>>[vector<16xi32>, vector<16xi32>, vector<16xi32>, vector<16xi32>], vector<16xf32>,
        tpu.vector_store_idx %arg13[%add3A_483, %shift_right_logical3A_22, %and3A_45, %add3A_487], %mul3A_505 : memref<2x8x8x129xf32, #tpu.memory_space<vmem>>[vector<16xi32>, vector<16xi32>, vector<16xi32>, vector<16xi32>], vector<16xf32>,
        tpu.vector_store_idx %arg13[%add3A_483, %shift_right_logical3A_28, %and3A_51, %add3A_487], %mul3A_511 : memref<2x8x8x129xf32, #tpu.memory_space<vmem>>[vector<16xi32>, vector<16xi32>, vector<16xi32>, vector<16xi32>], vector<16xf32>,
      }
      %scan3A_262 = arith.constant 256 : i32
      %mul3A_263 = arith.constant 2 : i32
      %mul3A_264 = arith.muli %mul3A_263, %add3A_238 : i32
      %dma_start3A_265 = arith.constant 0 : i32
      %dma_start3A_266 = arith.constant 0 : i32
      %dma_start3A_267 = arith.constant 0 : i32
      %dma_start3A_268 = arith.constant 0 : i32
      %dma_start3A_269 = tpu.memref_slice %arg13[%dma_start3A_265, %dma_start3A_266, %dma_start3A_267, %dma_start3A_268] : memref<2x8x8x129xf32, #tpu.memory_space<vmem>> -> memref<2x8x8x128xf32, #tpu.memory_space<vmem>>
      %dma_start3A_270 = arith.constant 0 : i32
      %dma_start3A_271 = arith.constant 0 : i32
      %dma_start3A_272 = arith.constant 0 : i32
      %dma_start3A_273 = tpu.memref_slice %arg4[%mul3A_264, %dma_start3A_270, %add3A, %dma_start3A_271, %dma_start3A_272] : memref<200x8x32x8x128xf32, #tpu.memory_space<hbm>> -> memref<2x8x1x8x128xf32, #tpu.memory_space<hbm>>
      %dma_start3A_274 = tpu.memref_squeeze %dma_start3A_273 : memref<2x8x1x8x128xf32, #tpu.memory_space<hbm>> -> memref<2x8x8x128xf32, #tpu.memory_space<hbm>>
      %dma_start3A_275 = arith.constant 0 : i32
      %dma_start3A_276 = arith.constant 0 : i32
      %dma_start3A_277 = arith.constant 0 : i32
      %dma_start3A_278 = tpu.memref_slice %arg4[%mul3A_264, %dma_start3A_275, %add3A, %dma_start3A_276, %dma_start3A_277] : memref<200x8x32x8x128xf32, #tpu.memory_space<hbm>> -> memref<2x8x1x8x128xf32, #tpu.memory_space<hbm>>
      %dma_start3A_279 = tpu.memref_squeeze %dma_start3A_278 : memref<2x8x1x8x128xf32, #tpu.memory_space<hbm>> -> memref<2x8x8x128xf32, #tpu.memory_space<hbm>>
      %dma_start3A_280 = arith.constant 0 : i32
      %dma_start3A_281 = arith.constant 0 : i32
      %dma_start3A_282 = arith.constant 0 : i32
      %dma_start3A_283 = arith.constant 0 : i32
      %dma_start3A_284 = tpu.memref_slice %arg13[%dma_start3A_280, %dma_start3A_281, %dma_start3A_282, %dma_start3A_283] : memref<2x8x8x129xf32, #tpu.memory_space<vmem>> -> memref<2x8x8x128xf32, #tpu.memory_space<vmem>>
      tpu.enqueue_dma source(%dma_start3A_284 : memref<2x8x8x128xf32, #tpu.memory_space<vmem>>) target(%dma_start3A_279 : memref<2x8x8x128xf32, #tpu.memory_space<hbm>>) target_semaphore(%arg23 : memref<!tpu.dma_semaphore, #tpu.memory_space<semaphore_mem>>)
      %mul3A_285 = arith.constant 4 : i32
      %mul3A_286 = arith.muli %mul3A_285, %scan3A_234 : i32
      %add3A_287 = arith.constant 1 : i32
      %add3A_288 = arith.addi %mul3A_286, %add3A_287 : i32
      %dma_wait3A_289 = arith.constant 0 : i32
      %dma_wait3A_290 = arith.constant 0 : i32
      %dma_wait3A_291 = tpu.memref_slice %arg3[%dma_wait3A_289, %dma_wait3A_290] : memref<1000000x64xf32, #tpu.memory_space<hbm>> -> memref<1000000x64xf32, #tpu.memory_space<hbm>>
      tpu.wait_indirect_dma semaphore(%arg20 : memref<!tpu.dma_semaphore, #tpu.memory_space<semaphore_mem>>) src(%dma_wait3A_291 : memref<1000000x64xf32, #tpu.memory_space<hbm>>) dst(%arg10 : memref<256x64xf32, #tpu.memory_space<vmem>>)
      %add3A_292 = arith.constant 3 : i32
      %add3A_293 = arith.addi %add3A_288, %add3A_292 : i32
      %lt3A_294 = arith.constant 100 : i32
      %lt3A_295 = arith.cmpi slt, %add3A_293, %lt3A_294 : i32
      %convert_element_type3A_296 = arith.extui %lt3A_295 : i1 to i32
      %cond3A_297 = arith.constant 0 : i32
      %cond3A_298 = arith.cmpi ne, %convert_element_type3A_296, %cond3A_297 : i32
      scf.if %cond3A_298 {
        %dma_wait3A_447 = arith.constant 0 : i32
        %dma_wait3A_448 = arith.constant 0 : i32
        %dma_wait3A_449 = tpu.memref_slice %arg5[%dma_wait3A_448] : memref<256xi32, #tpu.memory_space<vmem>> -> memref<128xi32, #tpu.memory_space<vmem>>
        %dma_wait3A_450 = tpu.memref_slice %arg2[%dma_wait3A_447, %mul3A_2] : memref<200x4096xi32, #tpu.memory_space<hbm>> -> memref<1x128xi32, #tpu.memory_space<hbm>>
        %dma_wait3A_451 = tpu.memref_squeeze %dma_wait3A_450 : memref<1x128xi32, #tpu.memory_space<hbm>> -> memref<128xi32, #tpu.memory_space<hbm>>
        %dma_wait3A_452 = arith.constant 0 : i32
        %dma_wait3A_453 = tpu.memref_slice %arg5[%dma_wait3A_452] : memref<256xi32, #tpu.memory_space<vmem>> -> memref<128xi32, #tpu.memory_space<vmem>>
        %dma_wait3A_454 = tpu.memref_slice %arg2[%dma_wait3A_447, %mul3A_2] : memref<200x4096xi32, #tpu.memory_space<hbm>> -> memref<1x128xi32, #tpu.memory_space<hbm>>
        %dma_wait3A_455 = tpu.memref_squeeze %dma_wait3A_454 : memref<1x128xi32, #tpu.memory_space<hbm>> -> memref<128xi32, #tpu.memory_space<hbm>>
        tpu.wait_dma2 semaphore(%arg15 : memref<!tpu.dma_semaphore, #tpu.memory_space<semaphore_mem>>) src(%dma_wait3A_455 : memref<128xi32, #tpu.memory_space<hbm>>) dst(%dma_wait3A_453 : memref<128xi32, #tpu.memory_space<vmem>>)
        %dma_wait3A_456 = arith.constant 0 : i32
        %dma_wait3A_457 = arith.constant 128 : i32
        %dma_wait3A_458 = tpu.memref_slice %arg5[%dma_wait3A_457] : memref<256xi32, #tpu.memory_space<vmem>> -> memref<128xi32, #tpu.memory_space<vmem>>
        %dma_wait3A_459 = tpu.memref_slice %arg2[%dma_wait3A_456, %mul3A_2] : memref<200x4096xi32, #tpu.memory_space<hbm>> -> memref<1x128xi32, #tpu.memory_space<hbm>>
        %dma_wait3A_460 = tpu.memref_squeeze %dma_wait3A_459 : memref<1x128xi32, #tpu.memory_space<hbm>> -> memref<128xi32, #tpu.memory_space<hbm>>
        %dma_wait3A_461 = arith.constant 128 : i32
        %dma_wait3A_462 = tpu.memref_slice %arg5[%dma_wait3A_461] : memref<256xi32, #tpu.memory_space<vmem>> -> memref<128xi32, #tpu.memory_space<vmem>>
        %dma_wait3A_463 = tpu.memref_slice %arg2[%dma_wait3A_456, %mul3A_2] : memref<200x4096xi32, #tpu.memory_space<hbm>> -> memref<1x128xi32, #tpu.memory_space<hbm>>
        %dma_wait3A_464 = tpu.memref_squeeze %dma_wait3A_463 : memref<1x128xi32, #tpu.memory_space<hbm>> -> memref<128xi32, #tpu.memory_space<hbm>>
        tpu.wait_dma2 semaphore(%arg15 : memref<!tpu.dma_semaphore, #tpu.memory_space<semaphore_mem>>) src(%dma_wait3A_464 : memref<128xi32, #tpu.memory_space<hbm>>) dst(%dma_wait3A_462 : memref<128xi32, #tpu.memory_space<vmem>>)
        %dma_start3A_465 = arith.constant 0 : i32
        %dma_start3A_466 = arith.constant 0 : i32
        %dma_start3A_467 = tpu.memref_slice %arg3[%dma_start3A_465, %dma_start3A_466] : memref<1000000x64xf32, #tpu.memory_space<hbm>> -> memref<1000000x64xf32, #tpu.memory_space<hbm>>
        tpu.enqueue_indirect_dma source(%dma_start3A_467 : memref<1000000x64xf32, #tpu.memory_space<hbm>>) target(%arg9 : memref<256x64xf32, #tpu.memory_space<vmem>>) offsets(%arg5 : memref<256xi32, #tpu.memory_space<vmem>>) semaphore(%arg19 : memref<!tpu.dma_semaphore, #tpu.memory_space<semaphore_mem>>)
      } else {
      }
      %add3A_299 = arith.constant 4 : i32
      %add3A_300 = arith.addi %add3A_288, %add3A_299 : i32
      %lt3A_301 = arith.constant 100 : i32
      %lt3A_302 = arith.cmpi slt, %add3A_300, %lt3A_301 : i32
      %convert_element_type3A_303 = arith.extui %lt3A_302 : i1 to i32
      %cond3A_304 = arith.constant 0 : i32
      %cond3A_305 = arith.cmpi ne, %convert_element_type3A_303, %cond3A_304 : i32
      scf.if %cond3A_305 {
        %add3A_447 = arith.constant 4 : i32
        %add3A_448 = arith.addi %add3A_288, %add3A_447 : i32
        %mul3A_449 = arith.constant 2 : i32
        %mul3A_450 = arith.muli %mul3A_449, %add3A_448 : i32
        %add3A_451 = arith.constant 0 : i32
        %add3A_452 = arith.addi %mul3A_450, %add3A_451 : i32
        %dma_start3A_453 = arith.constant 0 : i32
        %dma_start3A_454 = tpu.memref_slice %arg6[%dma_start3A_453] : memref<256xi32, #tpu.memory_space<vmem>> -> memref<128xi32, #tpu.memory_space<vmem>>
        %dma_start3A_455 = tpu.memref_slice %arg2[%add3A_452, %mul3A_2] : memref<200x4096xi32, #tpu.memory_space<hbm>> -> memref<1x128xi32, #tpu.memory_space<hbm>>
        %dma_start3A_456 = tpu.memref_squeeze %dma_start3A_455 : memref<1x128xi32, #tpu.memory_space<hbm>> -> memref<128xi32, #tpu.memory_space<hbm>>
        %dma_start3A_457 = arith.constant 0 : i32
        %dma_start3A_458 = tpu.memref_slice %arg6[%dma_start3A_457] : memref<256xi32, #tpu.memory_space<vmem>> -> memref<128xi32, #tpu.memory_space<vmem>>
        %dma_start3A_459 = tpu.memref_slice %arg2[%add3A_452, %mul3A_2] : memref<200x4096xi32, #tpu.memory_space<hbm>> -> memref<1x128xi32, #tpu.memory_space<hbm>>
        %dma_start3A_460 = tpu.memref_squeeze %dma_start3A_459 : memref<1x128xi32, #tpu.memory_space<hbm>> -> memref<128xi32, #tpu.memory_space<hbm>>
        tpu.enqueue_dma source(%dma_start3A_460 : memref<128xi32, #tpu.memory_space<hbm>>) target(%dma_start3A_458 : memref<128xi32, #tpu.memory_space<vmem>>) target_semaphore(%arg16 : memref<!tpu.dma_semaphore, #tpu.memory_space<semaphore_mem>>)
        %add3A_461 = arith.constant 1 : i32
        %add3A_462 = arith.addi %mul3A_450, %add3A_461 : i32
        %dma_start3A_463 = arith.constant 128 : i32
        %dma_start3A_464 = tpu.memref_slice %arg6[%dma_start3A_463] : memref<256xi32, #tpu.memory_space<vmem>> -> memref<128xi32, #tpu.memory_space<vmem>>
        %dma_start3A_465 = tpu.memref_slice %arg2[%add3A_462, %mul3A_2] : memref<200x4096xi32, #tpu.memory_space<hbm>> -> memref<1x128xi32, #tpu.memory_space<hbm>>
        %dma_start3A_466 = tpu.memref_squeeze %dma_start3A_465 : memref<1x128xi32, #tpu.memory_space<hbm>> -> memref<128xi32, #tpu.memory_space<hbm>>
        %dma_start3A_467 = arith.constant 128 : i32
        %dma_start3A_468 = tpu.memref_slice %arg6[%dma_start3A_467] : memref<256xi32, #tpu.memory_space<vmem>> -> memref<128xi32, #tpu.memory_space<vmem>>
        %dma_start3A_469 = tpu.memref_slice %arg2[%add3A_462, %mul3A_2] : memref<200x4096xi32, #tpu.memory_space<hbm>> -> memref<1x128xi32, #tpu.memory_space<hbm>>
        %dma_start3A_470 = tpu.memref_squeeze %dma_start3A_469 : memref<1x128xi32, #tpu.memory_space<hbm>> -> memref<128xi32, #tpu.memory_space<hbm>>
        tpu.enqueue_dma source(%dma_start3A_470 : memref<128xi32, #tpu.memory_space<hbm>>) target(%dma_start3A_468 : memref<128xi32, #tpu.memory_space<vmem>>) target_semaphore(%arg16 : memref<!tpu.dma_semaphore, #tpu.memory_space<semaphore_mem>>)
      } else {
      }
      %ge3A_306 = arith.constant 2 : i32
      %ge3A_307 = arith.cmpi sge, %add3A_288, %ge3A_306 : i32
      %convert_element_type3A_308 = arith.extui %ge3A_307 : i1 to i32
      %cond3A_309 = arith.constant 0 : i32
      %cond3A_310 = arith.cmpi ne, %convert_element_type3A_308, %cond3A_309 : i32
      scf.if %cond3A_310 {
        %dma_wait3A_447 = arith.constant 0 : i32
        %dma_wait3A_448 = arith.constant 0 : i32
        %dma_wait3A_449 = arith.constant 0 : i32
        %dma_wait3A_450 = arith.constant 0 : i32
        %dma_wait3A_451 = tpu.memref_slice %arg14[%dma_wait3A_447, %dma_wait3A_448, %dma_wait3A_449, %dma_wait3A_450] : memref<2x8x8x129xf32, #tpu.memory_space<vmem>> -> memref<2x8x8x128xf32, #tpu.memory_space<vmem>>
        %dma_wait3A_452 = arith.constant 0 : i32
        %dma_wait3A_453 = arith.constant 0 : i32
        %dma_wait3A_454 = arith.constant 0 : i32
        %dma_wait3A_455 = arith.constant 0 : i32
        %dma_wait3A_456 = tpu.memref_slice %arg4[%dma_wait3A_452, %dma_wait3A_453, %add3A, %dma_wait3A_454, %dma_wait3A_455] : memref<200x8x32x8x128xf32, #tpu.memory_space<hbm>> -> memref<2x8x1x8x128xf32, #tpu.memory_space<hbm>>
        %dma_wait3A_457 = tpu.memref_squeeze %dma_wait3A_456 : memref<2x8x1x8x128xf32, #tpu.memory_space<hbm>> -> memref<2x8x8x128xf32, #tpu.memory_space<hbm>>
        %dma_wait3A_458 = arith.constant 0 : i32
        %dma_wait3A_459 = arith.constant 0 : i32
        %dma_wait3A_460 = arith.constant 0 : i32
        %dma_wait3A_461 = arith.constant 0 : i32
        %dma_wait3A_462 = tpu.memref_slice %arg4[%dma_wait3A_458, %dma_wait3A_459, %add3A, %dma_wait3A_460, %dma_wait3A_461] : memref<200x8x32x8x128xf32, #tpu.memory_space<hbm>> -> memref<2x8x1x8x128xf32, #tpu.memory_space<hbm>>
        %dma_wait3A_463 = tpu.memref_squeeze %dma_wait3A_462 : memref<2x8x1x8x128xf32, #tpu.memory_space<hbm>> -> memref<2x8x8x128xf32, #tpu.memory_space<hbm>>
        %dma_wait3A_464 = arith.constant 0 : i32
        %dma_wait3A_465 = arith.constant 0 : i32
        %dma_wait3A_466 = arith.constant 0 : i32
        %dma_wait3A_467 = arith.constant 0 : i32
        %dma_wait3A_468 = tpu.memref_slice %arg14[%dma_wait3A_464, %dma_wait3A_465, %dma_wait3A_466, %dma_wait3A_467] : memref<2x8x8x129xf32, #tpu.memory_space<vmem>> -> memref<2x8x8x128xf32, #tpu.memory_space<vmem>>
        tpu.wait_dma2 semaphore(%arg24 : memref<!tpu.dma_semaphore, #tpu.memory_space<semaphore_mem>>) src(%dma_wait3A_468 : memref<2x8x8x128xf32, #tpu.memory_space<vmem>>) dst(%dma_wait3A_463 : memref<2x8x8x128xf32, #tpu.memory_space<hbm>>)
      } else {
      }
      %scan3A_311 = arith.constant 0 : i32
      %scan3A_312 = arith.constant 0 : i32
      %scan3A_313 = arith.constant 256 : i32
      %scan3A_314 = arith.addi %scan3A_312, %scan3A_313 : i32
      %scan3A_315 = arith.constant 2 : i32
      scf.for %scan3A_447 = %scan3A_312 to %scan3A_314 step %scan3A_315  : i32 {
        %shift_right_arithmetic3A = arith.constant 7 : i32
        %shift_right_arithmetic3A_448 = arith.shrsi %scan3A_447, %shift_right_arithmetic3A : i32
        %add3A_449 = vector.broadcast %shift_right_arithmetic3A_448 : i32 to vector<16xi32>
        %add3A_450 = arith.addi %mul3A_5, %add3A_449 : vector<16xi32>
        %and3A_451 = arith.constant 127 : i32
        %and3A_452 = arith.andi %scan3A_447, %and3A_451 : i32
        %add3A_453 = vector.broadcast %and3A_452 : i32 to vector<16xi32>
        %add3A_454 = arith.addi %mul3A_5, %add3A_453 : vector<16xi32>
        %get3A = arith.index_cast %scan3A_447 : i32 to index
        %get3A_455 = arith.constant 0 : index
        %get3A_456 = tpu.vector_load %arg10[%get3A, %get3A_455] {strides = array<i32>} : memref<256x64xf32, #tpu.memory_space<vmem>>, vector<16xf32>,
        %mul3A_457 = arith.constant 8.000000e+00 : f32
        %mul3A_458 = vector.broadcast %mul3A_457 : f32 to vector<16xf32>
        %mul3A_459 = arith.mulf %get3A_456, %mul3A_458 : vector<16xf32>
        %get3A_460 = arith.index_cast %scan3A_447 : i32 to index
        %get3A_461 = arith.constant 16 : index
        %get3A_462 = tpu.vector_load %arg10[%get3A_460, %get3A_461] {strides = array<i32>} : memref<256x64xf32, #tpu.memory_space<vmem>>, vector<16xf32>,
        %mul3A_463 = arith.constant 8.000000e+00 : f32
        %mul3A_464 = vector.broadcast %mul3A_463 : f32 to vector<16xf32>
        %mul3A_465 = arith.mulf %get3A_462, %mul3A_464 : vector<16xf32>
        %get3A_466 = arith.index_cast %scan3A_447 : i32 to index
        %get3A_467 = arith.constant 32 : index
        %get3A_468 = tpu.vector_load %arg10[%get3A_466, %get3A_467] {strides = array<i32>} : memref<256x64xf32, #tpu.memory_space<vmem>>, vector<16xf32>,
        %mul3A_469 = arith.constant 8.000000e+00 : f32
        %mul3A_470 = vector.broadcast %mul3A_469 : f32 to vector<16xf32>
        %mul3A_471 = arith.mulf %get3A_468, %mul3A_470 : vector<16xf32>
        %get3A_472 = arith.index_cast %scan3A_447 : i32 to index
        %get3A_473 = arith.constant 48 : index
        %get3A_474 = tpu.vector_load %arg10[%get3A_472, %get3A_473] {strides = array<i32>} : memref<256x64xf32, #tpu.memory_space<vmem>>, vector<16xf32>,
        %mul3A_475 = arith.constant 8.000000e+00 : f32
        %mul3A_476 = vector.broadcast %mul3A_475 : f32 to vector<16xf32>
        %mul3A_477 = arith.mulf %get3A_474, %mul3A_476 : vector<16xf32>
        tpu.vector_store_idx %arg14[%add3A_450, %shift_right_logical3A_10, %and3A_33, %add3A_454], %mul3A_459 : memref<2x8x8x129xf32, #tpu.memory_space<vmem>>[vector<16xi32>, vector<16xi32>, vector<16xi32>, vector<16xi32>], vector<16xf32>,
        tpu.vector_store_idx %arg14[%add3A_450, %shift_right_logical3A_16, %and3A_39, %add3A_454], %mul3A_465 : memref<2x8x8x129xf32, #tpu.memory_space<vmem>>[vector<16xi32>, vector<16xi32>, vector<16xi32>, vector<16xi32>], vector<16xf32>,
        tpu.vector_store_idx %arg14[%add3A_450, %shift_right_logical3A_22, %and3A_45, %add3A_454], %mul3A_471 : memref<2x8x8x129xf32, #tpu.memory_space<vmem>>[vector<16xi32>, vector<16xi32>, vector<16xi32>, vector<16xi32>], vector<16xf32>,
        tpu.vector_store_idx %arg14[%add3A_450, %shift_right_logical3A_28, %and3A_51, %add3A_454], %mul3A_477 : memref<2x8x8x129xf32, #tpu.memory_space<vmem>>[vector<16xi32>, vector<16xi32>, vector<16xi32>, vector<16xi32>], vector<16xf32>,
        %scan3A_478 = arith.constant 1 : i32
        %scan3A_479 = arith.addi %scan3A_447, %scan3A_478 : i32
        %shift_right_arithmetic3A_480 = arith.constant 7 : i32
        %shift_right_arithmetic3A_481 = arith.shrsi %scan3A_479, %shift_right_arithmetic3A_480 : i32
        %add3A_482 = vector.broadcast %shift_right_arithmetic3A_481 : i32 to vector<16xi32>
        %add3A_483 = arith.addi %mul3A_5, %add3A_482 : vector<16xi32>
        %and3A_484 = arith.constant 127 : i32
        %and3A_485 = arith.andi %scan3A_479, %and3A_484 : i32
        %add3A_486 = vector.broadcast %and3A_485 : i32 to vector<16xi32>
        %add3A_487 = arith.addi %mul3A_5, %add3A_486 : vector<16xi32>
        %get3A_488 = arith.index_cast %scan3A_479 : i32 to index
        %get3A_489 = arith.constant 0 : index
        %get3A_490 = tpu.vector_load %arg10[%get3A_488, %get3A_489] {strides = array<i32>} : memref<256x64xf32, #tpu.memory_space<vmem>>, vector<16xf32>,
        %mul3A_491 = arith.constant 8.000000e+00 : f32
        %mul3A_492 = vector.broadcast %mul3A_491 : f32 to vector<16xf32>
        %mul3A_493 = arith.mulf %get3A_490, %mul3A_492 : vector<16xf32>
        %get3A_494 = arith.index_cast %scan3A_479 : i32 to index
        %get3A_495 = arith.constant 16 : index
        %get3A_496 = tpu.vector_load %arg10[%get3A_494, %get3A_495] {strides = array<i32>} : memref<256x64xf32, #tpu.memory_space<vmem>>, vector<16xf32>,
        %mul3A_497 = arith.constant 8.000000e+00 : f32
        %mul3A_498 = vector.broadcast %mul3A_497 : f32 to vector<16xf32>
        %mul3A_499 = arith.mulf %get3A_496, %mul3A_498 : vector<16xf32>
        %get3A_500 = arith.index_cast %scan3A_479 : i32 to index
        %get3A_501 = arith.constant 32 : index
        %get3A_502 = tpu.vector_load %arg10[%get3A_500, %get3A_501] {strides = array<i32>} : memref<256x64xf32, #tpu.memory_space<vmem>>, vector<16xf32>,
        %mul3A_503 = arith.constant 8.000000e+00 : f32
        %mul3A_504 = vector.broadcast %mul3A_503 : f32 to vector<16xf32>
        %mul3A_505 = arith.mulf %get3A_502, %mul3A_504 : vector<16xf32>
        %get3A_506 = arith.index_cast %scan3A_479 : i32 to index
        %get3A_507 = arith.constant 48 : index
        %get3A_508 = tpu.vector_load %arg10[%get3A_506, %get3A_507] {strides = array<i32>} : memref<256x64xf32, #tpu.memory_space<vmem>>, vector<16xf32>,
        %mul3A_509 = arith.constant 8.000000e+00 : f32
        %mul3A_510 = vector.broadcast %mul3A_509 : f32 to vector<16xf32>
        %mul3A_511 = arith.mulf %get3A_508, %mul3A_510 : vector<16xf32>
        tpu.vector_store_idx %arg14[%add3A_483, %shift_right_logical3A_10, %and3A_33, %add3A_487], %mul3A_493 : memref<2x8x8x129xf32, #tpu.memory_space<vmem>>[vector<16xi32>, vector<16xi32>, vector<16xi32>, vector<16xi32>], vector<16xf32>,
        tpu.vector_store_idx %arg14[%add3A_483, %shift_right_logical3A_16, %and3A_39, %add3A_487], %mul3A_499 : memref<2x8x8x129xf32, #tpu.memory_space<vmem>>[vector<16xi32>, vector<16xi32>, vector<16xi32>, vector<16xi32>], vector<16xf32>,
        tpu.vector_store_idx %arg14[%add3A_483, %shift_right_logical3A_22, %and3A_45, %add3A_487], %mul3A_505 : memref<2x8x8x129xf32, #tpu.memory_space<vmem>>[vector<16xi32>, vector<16xi32>, vector<16xi32>, vector<16xi32>], vector<16xf32>,
        tpu.vector_store_idx %arg14[%add3A_483, %shift_right_logical3A_28, %and3A_51, %add3A_487], %mul3A_511 : memref<2x8x8x129xf32, #tpu.memory_space<vmem>>[vector<16xi32>, vector<16xi32>, vector<16xi32>, vector<16xi32>], vector<16xf32>,
      }
      %scan3A_316 = arith.constant 256 : i32
      %mul3A_317 = arith.constant 2 : i32
      %mul3A_318 = arith.muli %mul3A_317, %add3A_288 : i32
      %dma_start3A_319 = arith.constant 0 : i32
      %dma_start3A_320 = arith.constant 0 : i32
      %dma_start3A_321 = arith.constant 0 : i32
      %dma_start3A_322 = arith.constant 0 : i32
      %dma_start3A_323 = tpu.memref_slice %arg14[%dma_start3A_319, %dma_start3A_320, %dma_start3A_321, %dma_start3A_322] : memref<2x8x8x129xf32, #tpu.memory_space<vmem>> -> memref<2x8x8x128xf32, #tpu.memory_space<vmem>>
      %dma_start3A_324 = arith.constant 0 : i32
      %dma_start3A_325 = arith.constant 0 : i32
      %dma_start3A_326 = arith.constant 0 : i32
      %dma_start3A_327 = tpu.memref_slice %arg4[%mul3A_318, %dma_start3A_324, %add3A, %dma_start3A_325, %dma_start3A_326] : memref<200x8x32x8x128xf32, #tpu.memory_space<hbm>> -> memref<2x8x1x8x128xf32, #tpu.memory_space<hbm>>
      %dma_start3A_328 = tpu.memref_squeeze %dma_start3A_327 : memref<2x8x1x8x128xf32, #tpu.memory_space<hbm>> -> memref<2x8x8x128xf32, #tpu.memory_space<hbm>>
      %dma_start3A_329 = arith.constant 0 : i32
      %dma_start3A_330 = arith.constant 0 : i32
      %dma_start3A_331 = arith.constant 0 : i32
      %dma_start3A_332 = tpu.memref_slice %arg4[%mul3A_318, %dma_start3A_329, %add3A, %dma_start3A_330, %dma_start3A_331] : memref<200x8x32x8x128xf32, #tpu.memory_space<hbm>> -> memref<2x8x1x8x128xf32, #tpu.memory_space<hbm>>
      %dma_start3A_333 = tpu.memref_squeeze %dma_start3A_332 : memref<2x8x1x8x128xf32, #tpu.memory_space<hbm>> -> memref<2x8x8x128xf32, #tpu.memory_space<hbm>>
      %dma_start3A_334 = arith.constant 0 : i32
      %dma_start3A_335 = arith.constant 0 : i32
      %dma_start3A_336 = arith.constant 0 : i32
      %dma_start3A_337 = arith.constant 0 : i32
      %dma_start3A_338 = tpu.memref_slice %arg14[%dma_start3A_334, %dma_start3A_335, %dma_start3A_336, %dma_start3A_337] : memref<2x8x8x129xf32, #tpu.memory_space<vmem>> -> memref<2x8x8x128xf32, #tpu.memory_space<vmem>>
      tpu.enqueue_dma source(%dma_start3A_338 : memref<2x8x8x128xf32, #tpu.memory_space<vmem>>) target(%dma_start3A_333 : memref<2x8x8x128xf32, #tpu.memory_space<hbm>>) target_semaphore(%arg24 : memref<!tpu.dma_semaphore, #tpu.memory_space<semaphore_mem>>)
      %mul3A_339 = arith.constant 4 : i32
      %mul3A_340 = arith.muli %mul3A_339, %scan3A_234 : i32
      %add3A_341 = arith.constant 2 : i32
      %add3A_342 = arith.addi %mul3A_340, %add3A_341 : i32
      %dma_wait3A_343 = arith.constant 0 : i32
      %dma_wait3A_344 = arith.constant 0 : i32
      %dma_wait3A_345 = tpu.memref_slice %arg3[%dma_wait3A_343, %dma_wait3A_344] : memref<1000000x64xf32, #tpu.memory_space<hbm>> -> memref<1000000x64xf32, #tpu.memory_space<hbm>>
      tpu.wait_indirect_dma semaphore(%arg21 : memref<!tpu.dma_semaphore, #tpu.memory_space<semaphore_mem>>) src(%dma_wait3A_345 : memref<1000000x64xf32, #tpu.memory_space<hbm>>) dst(%arg11 : memref<256x64xf32, #tpu.memory_space<vmem>>)
      %add3A_346 = arith.constant 3 : i32
      %add3A_347 = arith.addi %add3A_342, %add3A_346 : i32
      %lt3A_348 = arith.constant 100 : i32
      %lt3A_349 = arith.cmpi slt, %add3A_347, %lt3A_348 : i32
      %convert_element_type3A_350 = arith.extui %lt3A_349 : i1 to i32
      %cond3A_351 = arith.constant 0 : i32
      %cond3A_352 = arith.cmpi ne, %convert_element_type3A_350, %cond3A_351 : i32
      scf.if %cond3A_352 {
        %dma_wait3A_447 = arith.constant 0 : i32
        %dma_wait3A_448 = arith.constant 0 : i32
        %dma_wait3A_449 = tpu.memref_slice %arg6[%dma_wait3A_448] : memref<256xi32, #tpu.memory_space<vmem>> -> memref<128xi32, #tpu.memory_space<vmem>>
        %dma_wait3A_450 = tpu.memref_slice %arg2[%dma_wait3A_447, %mul3A_2] : memref<200x4096xi32, #tpu.memory_space<hbm>> -> memref<1x128xi32, #tpu.memory_space<hbm>>
        %dma_wait3A_451 = tpu.memref_squeeze %dma_wait3A_450 : memref<1x128xi32, #tpu.memory_space<hbm>> -> memref<128xi32, #tpu.memory_space<hbm>>
        %dma_wait3A_452 = arith.constant 0 : i32
        %dma_wait3A_453 = tpu.memref_slice %arg6[%dma_wait3A_452] : memref<256xi32, #tpu.memory_space<vmem>> -> memref<128xi32, #tpu.memory_space<vmem>>
        %dma_wait3A_454 = tpu.memref_slice %arg2[%dma_wait3A_447, %mul3A_2] : memref<200x4096xi32, #tpu.memory_space<hbm>> -> memref<1x128xi32, #tpu.memory_space<hbm>>
        %dma_wait3A_455 = tpu.memref_squeeze %dma_wait3A_454 : memref<1x128xi32, #tpu.memory_space<hbm>> -> memref<128xi32, #tpu.memory_space<hbm>>
        tpu.wait_dma2 semaphore(%arg16 : memref<!tpu.dma_semaphore, #tpu.memory_space<semaphore_mem>>) src(%dma_wait3A_455 : memref<128xi32, #tpu.memory_space<hbm>>) dst(%dma_wait3A_453 : memref<128xi32, #tpu.memory_space<vmem>>)
        %dma_wait3A_456 = arith.constant 0 : i32
        %dma_wait3A_457 = arith.constant 128 : i32
        %dma_wait3A_458 = tpu.memref_slice %arg6[%dma_wait3A_457] : memref<256xi32, #tpu.memory_space<vmem>> -> memref<128xi32, #tpu.memory_space<vmem>>
        %dma_wait3A_459 = tpu.memref_slice %arg2[%dma_wait3A_456, %mul3A_2] : memref<200x4096xi32, #tpu.memory_space<hbm>> -> memref<1x128xi32, #tpu.memory_space<hbm>>
        %dma_wait3A_460 = tpu.memref_squeeze %dma_wait3A_459 : memref<1x128xi32, #tpu.memory_space<hbm>> -> memref<128xi32, #tpu.memory_space<hbm>>
        %dma_wait3A_461 = arith.constant 128 : i32
        %dma_wait3A_462 = tpu.memref_slice %arg6[%dma_wait3A_461] : memref<256xi32, #tpu.memory_space<vmem>> -> memref<128xi32, #tpu.memory_space<vmem>>
        %dma_wait3A_463 = tpu.memref_slice %arg2[%dma_wait3A_456, %mul3A_2] : memref<200x4096xi32, #tpu.memory_space<hbm>> -> memref<1x128xi32, #tpu.memory_space<hbm>>
        %dma_wait3A_464 = tpu.memref_squeeze %dma_wait3A_463 : memref<1x128xi32, #tpu.memory_space<hbm>> -> memref<128xi32, #tpu.memory_space<hbm>>
        tpu.wait_dma2 semaphore(%arg16 : memref<!tpu.dma_semaphore, #tpu.memory_space<semaphore_mem>>) src(%dma_wait3A_464 : memref<128xi32, #tpu.memory_space<hbm>>) dst(%dma_wait3A_462 : memref<128xi32, #tpu.memory_space<vmem>>)
        %dma_start3A_465 = arith.constant 0 : i32
        %dma_start3A_466 = arith.constant 0 : i32
        %dma_start3A_467 = tpu.memref_slice %arg3[%dma_start3A_465, %dma_start3A_466] : memref<1000000x64xf32, #tpu.memory_space<hbm>> -> memref<1000000x64xf32, #tpu.memory_space<hbm>>
        tpu.enqueue_indirect_dma source(%dma_start3A_467 : memref<1000000x64xf32, #tpu.memory_space<hbm>>) target(%arg10 : memref<256x64xf32, #tpu.memory_space<vmem>>) offsets(%arg6 : memref<256xi32, #tpu.memory_space<vmem>>) semaphore(%arg20 : memref<!tpu.dma_semaphore, #tpu.memory_space<semaphore_mem>>)
      } else {
      }
      %add3A_353 = arith.constant 4 : i32
      %add3A_354 = arith.addi %add3A_342, %add3A_353 : i32
      %lt3A_355 = arith.constant 100 : i32
      %lt3A_356 = arith.cmpi slt, %add3A_354, %lt3A_355 : i32
      %convert_element_type3A_357 = arith.extui %lt3A_356 : i1 to i32
      %cond3A_358 = arith.constant 0 : i32
      %cond3A_359 = arith.cmpi ne, %convert_element_type3A_357, %cond3A_358 : i32
      scf.if %cond3A_359 {
        %add3A_447 = arith.constant 4 : i32
        %add3A_448 = arith.addi %add3A_342, %add3A_447 : i32
        %mul3A_449 = arith.constant 2 : i32
        %mul3A_450 = arith.muli %mul3A_449, %add3A_448 : i32
        %add3A_451 = arith.constant 0 : i32
        %add3A_452 = arith.addi %mul3A_450, %add3A_451 : i32
        %dma_start3A_453 = arith.constant 0 : i32
        %dma_start3A_454 = tpu.memref_slice %arg7[%dma_start3A_453] : memref<256xi32, #tpu.memory_space<vmem>> -> memref<128xi32, #tpu.memory_space<vmem>>
        %dma_start3A_455 = tpu.memref_slice %arg2[%add3A_452, %mul3A_2] : memref<200x4096xi32, #tpu.memory_space<hbm>> -> memref<1x128xi32, #tpu.memory_space<hbm>>
        %dma_start3A_456 = tpu.memref_squeeze %dma_start3A_455 : memref<1x128xi32, #tpu.memory_space<hbm>> -> memref<128xi32, #tpu.memory_space<hbm>>
        %dma_start3A_457 = arith.constant 0 : i32
        %dma_start3A_458 = tpu.memref_slice %arg7[%dma_start3A_457] : memref<256xi32, #tpu.memory_space<vmem>> -> memref<128xi32, #tpu.memory_space<vmem>>
        %dma_start3A_459 = tpu.memref_slice %arg2[%add3A_452, %mul3A_2] : memref<200x4096xi32, #tpu.memory_space<hbm>> -> memref<1x128xi32, #tpu.memory_space<hbm>>
        %dma_start3A_460 = tpu.memref_squeeze %dma_start3A_459 : memref<1x128xi32, #tpu.memory_space<hbm>> -> memref<128xi32, #tpu.memory_space<hbm>>
        tpu.enqueue_dma source(%dma_start3A_460 : memref<128xi32, #tpu.memory_space<hbm>>) target(%dma_start3A_458 : memref<128xi32, #tpu.memory_space<vmem>>) target_semaphore(%arg17 : memref<!tpu.dma_semaphore, #tpu.memory_space<semaphore_mem>>)
        %add3A_461 = arith.constant 1 : i32
        %add3A_462 = arith.addi %mul3A_450, %add3A_461 : i32
        %dma_start3A_463 = arith.constant 128 : i32
        %dma_start3A_464 = tpu.memref_slice %arg7[%dma_start3A_463] : memref<256xi32, #tpu.memory_space<vmem>> -> memref<128xi32, #tpu.memory_space<vmem>>
        %dma_start3A_465 = tpu.memref_slice %arg2[%add3A_462, %mul3A_2] : memref<200x4096xi32, #tpu.memory_space<hbm>> -> memref<1x128xi32, #tpu.memory_space<hbm>>
        %dma_start3A_466 = tpu.memref_squeeze %dma_start3A_465 : memref<1x128xi32, #tpu.memory_space<hbm>> -> memref<128xi32, #tpu.memory_space<hbm>>
        %dma_start3A_467 = arith.constant 128 : i32
        %dma_start3A_468 = tpu.memref_slice %arg7[%dma_start3A_467] : memref<256xi32, #tpu.memory_space<vmem>> -> memref<128xi32, #tpu.memory_space<vmem>>
        %dma_start3A_469 = tpu.memref_slice %arg2[%add3A_462, %mul3A_2] : memref<200x4096xi32, #tpu.memory_space<hbm>> -> memref<1x128xi32, #tpu.memory_space<hbm>>
        %dma_start3A_470 = tpu.memref_squeeze %dma_start3A_469 : memref<1x128xi32, #tpu.memory_space<hbm>> -> memref<128xi32, #tpu.memory_space<hbm>>
        tpu.enqueue_dma source(%dma_start3A_470 : memref<128xi32, #tpu.memory_space<hbm>>) target(%dma_start3A_468 : memref<128xi32, #tpu.memory_space<vmem>>) target_semaphore(%arg17 : memref<!tpu.dma_semaphore, #tpu.memory_space<semaphore_mem>>)
      } else {
      }
      %ge3A_360 = arith.constant 2 : i32
      %ge3A_361 = arith.cmpi sge, %add3A_342, %ge3A_360 : i32
      %convert_element_type3A_362 = arith.extui %ge3A_361 : i1 to i32
      %cond3A_363 = arith.constant 0 : i32
      %cond3A_364 = arith.cmpi ne, %convert_element_type3A_362, %cond3A_363 : i32
      scf.if %cond3A_364 {
        %dma_wait3A_447 = arith.constant 0 : i32
        %dma_wait3A_448 = arith.constant 0 : i32
        %dma_wait3A_449 = arith.constant 0 : i32
        %dma_wait3A_450 = arith.constant 0 : i32
        %dma_wait3A_451 = tpu.memref_slice %arg13[%dma_wait3A_447, %dma_wait3A_448, %dma_wait3A_449, %dma_wait3A_450] : memref<2x8x8x129xf32, #tpu.memory_space<vmem>> -> memref<2x8x8x128xf32, #tpu.memory_space<vmem>>
        %dma_wait3A_452 = arith.constant 0 : i32
        %dma_wait3A_453 = arith.constant 0 : i32
        %dma_wait3A_454 = arith.constant 0 : i32
        %dma_wait3A_455 = arith.constant 0 : i32
        %dma_wait3A_456 = tpu.memref_slice %arg4[%dma_wait3A_452, %dma_wait3A_453, %add3A, %dma_wait3A_454, %dma_wait3A_455] : memref<200x8x32x8x128xf32, #tpu.memory_space<hbm>> -> memref<2x8x1x8x128xf32, #tpu.memory_space<hbm>>
        %dma_wait3A_457 = tpu.memref_squeeze %dma_wait3A_456 : memref<2x8x1x8x128xf32, #tpu.memory_space<hbm>> -> memref<2x8x8x128xf32, #tpu.memory_space<hbm>>
        %dma_wait3A_458 = arith.constant 0 : i32
        %dma_wait3A_459 = arith.constant 0 : i32
        %dma_wait3A_460 = arith.constant 0 : i32
        %dma_wait3A_461 = arith.constant 0 : i32
        %dma_wait3A_462 = tpu.memref_slice %arg4[%dma_wait3A_458, %dma_wait3A_459, %add3A, %dma_wait3A_460, %dma_wait3A_461] : memref<200x8x32x8x128xf32, #tpu.memory_space<hbm>> -> memref<2x8x1x8x128xf32, #tpu.memory_space<hbm>>
        %dma_wait3A_463 = tpu.memref_squeeze %dma_wait3A_462 : memref<2x8x1x8x128xf32, #tpu.memory_space<hbm>> -> memref<2x8x8x128xf32, #tpu.memory_space<hbm>>
        %dma_wait3A_464 = arith.constant 0 : i32
        %dma_wait3A_465 = arith.constant 0 : i32
        %dma_wait3A_466 = arith.constant 0 : i32
        %dma_wait3A_467 = arith.constant 0 : i32
        %dma_wait3A_468 = tpu.memref_slice %arg13[%dma_wait3A_464, %dma_wait3A_465, %dma_wait3A_466, %dma_wait3A_467] : memref<2x8x8x129xf32, #tpu.memory_space<vmem>> -> memref<2x8x8x128xf32, #tpu.memory_space<vmem>>
        tpu.wait_dma2 semaphore(%arg23 : memref<!tpu.dma_semaphore, #tpu.memory_space<semaphore_mem>>) src(%dma_wait3A_468 : memref<2x8x8x128xf32, #tpu.memory_space<vmem>>) dst(%dma_wait3A_463 : memref<2x8x8x128xf32, #tpu.memory_space<hbm>>)
      } else {
      }
      %scan3A_365 = arith.constant 0 : i32
      %scan3A_366 = arith.constant 0 : i32
      %scan3A_367 = arith.constant 256 : i32
      %scan3A_368 = arith.addi %scan3A_366, %scan3A_367 : i32
      %scan3A_369 = arith.constant 2 : i32
      scf.for %scan3A_447 = %scan3A_366 to %scan3A_368 step %scan3A_369  : i32 {
        %shift_right_arithmetic3A = arith.constant 7 : i32
        %shift_right_arithmetic3A_448 = arith.shrsi %scan3A_447, %shift_right_arithmetic3A : i32
        %add3A_449 = vector.broadcast %shift_right_arithmetic3A_448 : i32 to vector<16xi32>
        %add3A_450 = arith.addi %mul3A_5, %add3A_449 : vector<16xi32>
        %and3A_451 = arith.constant 127 : i32
        %and3A_452 = arith.andi %scan3A_447, %and3A_451 : i32
        %add3A_453 = vector.broadcast %and3A_452 : i32 to vector<16xi32>
        %add3A_454 = arith.addi %mul3A_5, %add3A_453 : vector<16xi32>
        %get3A = arith.index_cast %scan3A_447 : i32 to index
        %get3A_455 = arith.constant 0 : index
        %get3A_456 = tpu.vector_load %arg11[%get3A, %get3A_455] {strides = array<i32>} : memref<256x64xf32, #tpu.memory_space<vmem>>, vector<16xf32>,
        %mul3A_457 = arith.constant 8.000000e+00 : f32
        %mul3A_458 = vector.broadcast %mul3A_457 : f32 to vector<16xf32>
        %mul3A_459 = arith.mulf %get3A_456, %mul3A_458 : vector<16xf32>
        %get3A_460 = arith.index_cast %scan3A_447 : i32 to index
        %get3A_461 = arith.constant 16 : index
        %get3A_462 = tpu.vector_load %arg11[%get3A_460, %get3A_461] {strides = array<i32>} : memref<256x64xf32, #tpu.memory_space<vmem>>, vector<16xf32>,
        %mul3A_463 = arith.constant 8.000000e+00 : f32
        %mul3A_464 = vector.broadcast %mul3A_463 : f32 to vector<16xf32>
        %mul3A_465 = arith.mulf %get3A_462, %mul3A_464 : vector<16xf32>
        %get3A_466 = arith.index_cast %scan3A_447 : i32 to index
        %get3A_467 = arith.constant 32 : index
        %get3A_468 = tpu.vector_load %arg11[%get3A_466, %get3A_467] {strides = array<i32>} : memref<256x64xf32, #tpu.memory_space<vmem>>, vector<16xf32>,
        %mul3A_469 = arith.constant 8.000000e+00 : f32
        %mul3A_470 = vector.broadcast %mul3A_469 : f32 to vector<16xf32>
        %mul3A_471 = arith.mulf %get3A_468, %mul3A_470 : vector<16xf32>
        %get3A_472 = arith.index_cast %scan3A_447 : i32 to index
        %get3A_473 = arith.constant 48 : index
        %get3A_474 = tpu.vector_load %arg11[%get3A_472, %get3A_473] {strides = array<i32>} : memref<256x64xf32, #tpu.memory_space<vmem>>, vector<16xf32>,
        %mul3A_475 = arith.constant 8.000000e+00 : f32
        %mul3A_476 = vector.broadcast %mul3A_475 : f32 to vector<16xf32>
        %mul3A_477 = arith.mulf %get3A_474, %mul3A_476 : vector<16xf32>
        tpu.vector_store_idx %arg13[%add3A_450, %shift_right_logical3A_10, %and3A_33, %add3A_454], %mul3A_459 : memref<2x8x8x129xf32, #tpu.memory_space<vmem>>[vector<16xi32>, vector<16xi32>, vector<16xi32>, vector<16xi32>], vector<16xf32>,
        tpu.vector_store_idx %arg13[%add3A_450, %shift_right_logical3A_16, %and3A_39, %add3A_454], %mul3A_465 : memref<2x8x8x129xf32, #tpu.memory_space<vmem>>[vector<16xi32>, vector<16xi32>, vector<16xi32>, vector<16xi32>], vector<16xf32>,
        tpu.vector_store_idx %arg13[%add3A_450, %shift_right_logical3A_22, %and3A_45, %add3A_454], %mul3A_471 : memref<2x8x8x129xf32, #tpu.memory_space<vmem>>[vector<16xi32>, vector<16xi32>, vector<16xi32>, vector<16xi32>], vector<16xf32>,
        tpu.vector_store_idx %arg13[%add3A_450, %shift_right_logical3A_28, %and3A_51, %add3A_454], %mul3A_477 : memref<2x8x8x129xf32, #tpu.memory_space<vmem>>[vector<16xi32>, vector<16xi32>, vector<16xi32>, vector<16xi32>], vector<16xf32>,
        %scan3A_478 = arith.constant 1 : i32
        %scan3A_479 = arith.addi %scan3A_447, %scan3A_478 : i32
        %shift_right_arithmetic3A_480 = arith.constant 7 : i32
        %shift_right_arithmetic3A_481 = arith.shrsi %scan3A_479, %shift_right_arithmetic3A_480 : i32
        %add3A_482 = vector.broadcast %shift_right_arithmetic3A_481 : i32 to vector<16xi32>
        %add3A_483 = arith.addi %mul3A_5, %add3A_482 : vector<16xi32>
        %and3A_484 = arith.constant 127 : i32
        %and3A_485 = arith.andi %scan3A_479, %and3A_484 : i32
        %add3A_486 = vector.broadcast %and3A_485 : i32 to vector<16xi32>
        %add3A_487 = arith.addi %mul3A_5, %add3A_486 : vector<16xi32>
        %get3A_488 = arith.index_cast %scan3A_479 : i32 to index
        %get3A_489 = arith.constant 0 : index
        %get3A_490 = tpu.vector_load %arg11[%get3A_488, %get3A_489] {strides = array<i32>} : memref<256x64xf32, #tpu.memory_space<vmem>>, vector<16xf32>,
        %mul3A_491 = arith.constant 8.000000e+00 : f32
        %mul3A_492 = vector.broadcast %mul3A_491 : f32 to vector<16xf32>
        %mul3A_493 = arith.mulf %get3A_490, %mul3A_492 : vector<16xf32>
        %get3A_494 = arith.index_cast %scan3A_479 : i32 to index
        %get3A_495 = arith.constant 16 : index
        %get3A_496 = tpu.vector_load %arg11[%get3A_494, %get3A_495] {strides = array<i32>} : memref<256x64xf32, #tpu.memory_space<vmem>>, vector<16xf32>,
        %mul3A_497 = arith.constant 8.000000e+00 : f32
        %mul3A_498 = vector.broadcast %mul3A_497 : f32 to vector<16xf32>
        %mul3A_499 = arith.mulf %get3A_496, %mul3A_498 : vector<16xf32>
        %get3A_500 = arith.index_cast %scan3A_479 : i32 to index
        %get3A_501 = arith.constant 32 : index
        %get3A_502 = tpu.vector_load %arg11[%get3A_500, %get3A_501] {strides = array<i32>} : memref<256x64xf32, #tpu.memory_space<vmem>>, vector<16xf32>,
        %mul3A_503 = arith.constant 8.000000e+00 : f32
        %mul3A_504 = vector.broadcast %mul3A_503 : f32 to vector<16xf32>
        %mul3A_505 = arith.mulf %get3A_502, %mul3A_504 : vector<16xf32>
        %get3A_506 = arith.index_cast %scan3A_479 : i32 to index
        %get3A_507 = arith.constant 48 : index
        %get3A_508 = tpu.vector_load %arg11[%get3A_506, %get3A_507] {strides = array<i32>} : memref<256x64xf32, #tpu.memory_space<vmem>>, vector<16xf32>,
        %mul3A_509 = arith.constant 8.000000e+00 : f32
        %mul3A_510 = vector.broadcast %mul3A_509 : f32 to vector<16xf32>
        %mul3A_511 = arith.mulf %get3A_508, %mul3A_510 : vector<16xf32>
        tpu.vector_store_idx %arg13[%add3A_483, %shift_right_logical3A_10, %and3A_33, %add3A_487], %mul3A_493 : memref<2x8x8x129xf32, #tpu.memory_space<vmem>>[vector<16xi32>, vector<16xi32>, vector<16xi32>, vector<16xi32>], vector<16xf32>,
        tpu.vector_store_idx %arg13[%add3A_483, %shift_right_logical3A_16, %and3A_39, %add3A_487], %mul3A_499 : memref<2x8x8x129xf32, #tpu.memory_space<vmem>>[vector<16xi32>, vector<16xi32>, vector<16xi32>, vector<16xi32>], vector<16xf32>,
        tpu.vector_store_idx %arg13[%add3A_483, %shift_right_logical3A_22, %and3A_45, %add3A_487], %mul3A_505 : memref<2x8x8x129xf32, #tpu.memory_space<vmem>>[vector<16xi32>, vector<16xi32>, vector<16xi32>, vector<16xi32>], vector<16xf32>,
        tpu.vector_store_idx %arg13[%add3A_483, %shift_right_logical3A_28, %and3A_51, %add3A_487], %mul3A_511 : memref<2x8x8x129xf32, #tpu.memory_space<vmem>>[vector<16xi32>, vector<16xi32>, vector<16xi32>, vector<16xi32>], vector<16xf32>,
      }
      %scan3A_370 = arith.constant 256 : i32
      %mul3A_371 = arith.constant 2 : i32
      %mul3A_372 = arith.muli %mul3A_371, %add3A_342 : i32
      %dma_start3A_373 = arith.constant 0 : i32
      %dma_start3A_374 = arith.constant 0 : i32
      %dma_start3A_375 = arith.constant 0 : i32
      %dma_start3A_376 = arith.constant 0 : i32
      %dma_start3A_377 = tpu.memref_slice %arg13[%dma_start3A_373, %dma_start3A_374, %dma_start3A_375, %dma_start3A_376] : memref<2x8x8x129xf32, #tpu.memory_space<vmem>> -> memref<2x8x8x128xf32, #tpu.memory_space<vmem>>
      %dma_start3A_378 = arith.constant 0 : i32
      %dma_start3A_379 = arith.constant 0 : i32
      %dma_start3A_380 = arith.constant 0 : i32
      %dma_start3A_381 = tpu.memref_slice %arg4[%mul3A_372, %dma_start3A_378, %add3A, %dma_start3A_379, %dma_start3A_380] : memref<200x8x32x8x128xf32, #tpu.memory_space<hbm>> -> memref<2x8x1x8x128xf32, #tpu.memory_space<hbm>>
      %dma_start3A_382 = tpu.memref_squeeze %dma_start3A_381 : memref<2x8x1x8x128xf32, #tpu.memory_space<hbm>> -> memref<2x8x8x128xf32, #tpu.memory_space<hbm>>
      %dma_start3A_383 = arith.constant 0 : i32
      %dma_start3A_384 = arith.constant 0 : i32
      %dma_start3A_385 = arith.constant 0 : i32
      %dma_start3A_386 = tpu.memref_slice %arg4[%mul3A_372, %dma_start3A_383, %add3A, %dma_start3A_384, %dma_start3A_385] : memref<200x8x32x8x128xf32, #tpu.memory_space<hbm>> -> memref<2x8x1x8x128xf32, #tpu.memory_space<hbm>>
      %dma_start3A_387 = tpu.memref_squeeze %dma_start3A_386 : memref<2x8x1x8x128xf32, #tpu.memory_space<hbm>> -> memref<2x8x8x128xf32, #tpu.memory_space<hbm>>
      %dma_start3A_388 = arith.constant 0 : i32
      %dma_start3A_389 = arith.constant 0 : i32
      %dma_start3A_390 = arith.constant 0 : i32
      %dma_start3A_391 = arith.constant 0 : i32
      %dma_start3A_392 = tpu.memref_slice %arg13[%dma_start3A_388, %dma_start3A_389, %dma_start3A_390, %dma_start3A_391] : memref<2x8x8x129xf32, #tpu.memory_space<vmem>> -> memref<2x8x8x128xf32, #tpu.memory_space<vmem>>
      tpu.enqueue_dma source(%dma_start3A_392 : memref<2x8x8x128xf32, #tpu.memory_space<vmem>>) target(%dma_start3A_387 : memref<2x8x8x128xf32, #tpu.memory_space<hbm>>) target_semaphore(%arg23 : memref<!tpu.dma_semaphore, #tpu.memory_space<semaphore_mem>>)
      %mul3A_393 = arith.constant 4 : i32
      %mul3A_394 = arith.muli %mul3A_393, %scan3A_234 : i32
      %add3A_395 = arith.constant 3 : i32
      %add3A_396 = arith.addi %mul3A_394, %add3A_395 : i32
      %dma_wait3A_397 = arith.constant 0 : i32
      %dma_wait3A_398 = arith.constant 0 : i32
      %dma_wait3A_399 = tpu.memref_slice %arg3[%dma_wait3A_397, %dma_wait3A_398] : memref<1000000x64xf32, #tpu.memory_space<hbm>> -> memref<1000000x64xf32, #tpu.memory_space<hbm>>
      tpu.wait_indirect_dma semaphore(%arg22 : memref<!tpu.dma_semaphore, #tpu.memory_space<semaphore_mem>>) src(%dma_wait3A_399 : memref<1000000x64xf32, #tpu.memory_space<hbm>>) dst(%arg12 : memref<256x64xf32, #tpu.memory_space<vmem>>)
      %add3A_400 = arith.constant 3 : i32
      %add3A_401 = arith.addi %add3A_396, %add3A_400 : i32
      %lt3A_402 = arith.constant 100 : i32
      %lt3A_403 = arith.cmpi slt, %add3A_401, %lt3A_402 : i32
      %convert_element_type3A_404 = arith.extui %lt3A_403 : i1 to i32
      %cond3A_405 = arith.constant 0 : i32
      %cond3A_406 = arith.cmpi ne, %convert_element_type3A_404, %cond3A_405 : i32
      scf.if %cond3A_406 {
        %dma_wait3A_447 = arith.constant 0 : i32
        %dma_wait3A_448 = arith.constant 0 : i32
        %dma_wait3A_449 = tpu.memref_slice %arg7[%dma_wait3A_448] : memref<256xi32, #tpu.memory_space<vmem>> -> memref<128xi32, #tpu.memory_space<vmem>>
        %dma_wait3A_450 = tpu.memref_slice %arg2[%dma_wait3A_447, %mul3A_2] : memref<200x4096xi32, #tpu.memory_space<hbm>> -> memref<1x128xi32, #tpu.memory_space<hbm>>
        %dma_wait3A_451 = tpu.memref_squeeze %dma_wait3A_450 : memref<1x128xi32, #tpu.memory_space<hbm>> -> memref<128xi32, #tpu.memory_space<hbm>>
        %dma_wait3A_452 = arith.constant 0 : i32
        %dma_wait3A_453 = tpu.memref_slice %arg7[%dma_wait3A_452] : memref<256xi32, #tpu.memory_space<vmem>> -> memref<128xi32, #tpu.memory_space<vmem>>
        %dma_wait3A_454 = tpu.memref_slice %arg2[%dma_wait3A_447, %mul3A_2] : memref<200x4096xi32, #tpu.memory_space<hbm>> -> memref<1x128xi32, #tpu.memory_space<hbm>>
        %dma_wait3A_455 = tpu.memref_squeeze %dma_wait3A_454 : memref<1x128xi32, #tpu.memory_space<hbm>> -> memref<128xi32, #tpu.memory_space<hbm>>
        tpu.wait_dma2 semaphore(%arg17 : memref<!tpu.dma_semaphore, #tpu.memory_space<semaphore_mem>>) src(%dma_wait3A_455 : memref<128xi32, #tpu.memory_space<hbm>>) dst(%dma_wait3A_453 : memref<128xi32, #tpu.memory_space<vmem>>)
        %dma_wait3A_456 = arith.constant 0 : i32
        %dma_wait3A_457 = arith.constant 128 : i32
        %dma_wait3A_458 = tpu.memref_slice %arg7[%dma_wait3A_457] : memref<256xi32, #tpu.memory_space<vmem>> -> memref<128xi32, #tpu.memory_space<vmem>>
        %dma_wait3A_459 = tpu.memref_slice %arg2[%dma_wait3A_456, %mul3A_2] : memref<200x4096xi32, #tpu.memory_space<hbm>> -> memref<1x128xi32, #tpu.memory_space<hbm>>
        %dma_wait3A_460 = tpu.memref_squeeze %dma_wait3A_459 : memref<1x128xi32, #tpu.memory_space<hbm>> -> memref<128xi32, #tpu.memory_space<hbm>>
        %dma_wait3A_461 = arith.constant 128 : i32
        %dma_wait3A_462 = tpu.memref_slice %arg7[%dma_wait3A_461] : memref<256xi32, #tpu.memory_space<vmem>> -> memref<128xi32, #tpu.memory_space<vmem>>
        %dma_wait3A_463 = tpu.memref_slice %arg2[%dma_wait3A_456, %mul3A_2] : memref<200x4096xi32, #tpu.memory_space<hbm>> -> memref<1x128xi32, #tpu.memory_space<hbm>>
        %dma_wait3A_464 = tpu.memref_squeeze %dma_wait3A_463 : memref<1x128xi32, #tpu.memory_space<hbm>> -> memref<128xi32, #tpu.memory_space<hbm>>
        tpu.wait_dma2 semaphore(%arg17 : memref<!tpu.dma_semaphore, #tpu.memory_space<semaphore_mem>>) src(%dma_wait3A_464 : memref<128xi32, #tpu.memory_space<hbm>>) dst(%dma_wait3A_462 : memref<128xi32, #tpu.memory_space<vmem>>)
        %dma_start3A_465 = arith.constant 0 : i32
        %dma_start3A_466 = arith.constant 0 : i32
        %dma_start3A_467 = tpu.memref_slice %arg3[%dma_start3A_465, %dma_start3A_466] : memref<1000000x64xf32, #tpu.memory_space<hbm>> -> memref<1000000x64xf32, #tpu.memory_space<hbm>>
        tpu.enqueue_indirect_dma source(%dma_start3A_467 : memref<1000000x64xf32, #tpu.memory_space<hbm>>) target(%arg11 : memref<256x64xf32, #tpu.memory_space<vmem>>) offsets(%arg7 : memref<256xi32, #tpu.memory_space<vmem>>) semaphore(%arg21 : memref<!tpu.dma_semaphore, #tpu.memory_space<semaphore_mem>>)
      } else {
      }
      %add3A_407 = arith.constant 4 : i32
      %add3A_408 = arith.addi %add3A_396, %add3A_407 : i32
      %lt3A_409 = arith.constant 100 : i32
      %lt3A_410 = arith.cmpi slt, %add3A_408, %lt3A_409 : i32
      %convert_element_type3A_411 = arith.extui %lt3A_410 : i1 to i32
      %cond3A_412 = arith.constant 0 : i32
      %cond3A_413 = arith.cmpi ne, %convert_element_type3A_411, %cond3A_412 : i32
      scf.if %cond3A_413 {
        %add3A_447 = arith.constant 4 : i32
        %add3A_448 = arith.addi %add3A_396, %add3A_447 : i32
        %mul3A_449 = arith.constant 2 : i32
        %mul3A_450 = arith.muli %mul3A_449, %add3A_448 : i32
        %add3A_451 = arith.constant 0 : i32
        %add3A_452 = arith.addi %mul3A_450, %add3A_451 : i32
        %dma_start3A_453 = arith.constant 0 : i32
        %dma_start3A_454 = tpu.memref_slice %arg8[%dma_start3A_453] : memref<256xi32, #tpu.memory_space<vmem>> -> memref<128xi32, #tpu.memory_space<vmem>>
        %dma_start3A_455 = tpu.memref_slice %arg2[%add3A_452, %mul3A_2] : memref<200x4096xi32, #tpu.memory_space<hbm>> -> memref<1x128xi32, #tpu.memory_space<hbm>>
        %dma_start3A_456 = tpu.memref_squeeze %dma_start3A_455 : memref<1x128xi32, #tpu.memory_space<hbm>> -> memref<128xi32, #tpu.memory_space<hbm>>
        %dma_start3A_457 = arith.constant 0 : i32
        %dma_start3A_458 = tpu.memref_slice %arg8[%dma_start3A_457] : memref<256xi32, #tpu.memory_space<vmem>> -> memref<128xi32, #tpu.memory_space<vmem>>
        %dma_start3A_459 = tpu.memref_slice %arg2[%add3A_452, %mul3A_2] : memref<200x4096xi32, #tpu.memory_space<hbm>> -> memref<1x128xi32, #tpu.memory_space<hbm>>
        %dma_start3A_460 = tpu.memref_squeeze %dma_start3A_459 : memref<1x128xi32, #tpu.memory_space<hbm>> -> memref<128xi32, #tpu.memory_space<hbm>>
        tpu.enqueue_dma source(%dma_start3A_460 : memref<128xi32, #tpu.memory_space<hbm>>) target(%dma_start3A_458 : memref<128xi32, #tpu.memory_space<vmem>>) target_semaphore(%arg18 : memref<!tpu.dma_semaphore, #tpu.memory_space<semaphore_mem>>)
        %add3A_461 = arith.constant 1 : i32
        %add3A_462 = arith.addi %mul3A_450, %add3A_461 : i32
        %dma_start3A_463 = arith.constant 128 : i32
        %dma_start3A_464 = tpu.memref_slice %arg8[%dma_start3A_463] : memref<256xi32, #tpu.memory_space<vmem>> -> memref<128xi32, #tpu.memory_space<vmem>>
        %dma_start3A_465 = tpu.memref_slice %arg2[%add3A_462, %mul3A_2] : memref<200x4096xi32, #tpu.memory_space<hbm>> -> memref<1x128xi32, #tpu.memory_space<hbm>>
        %dma_start3A_466 = tpu.memref_squeeze %dma_start3A_465 : memref<1x128xi32, #tpu.memory_space<hbm>> -> memref<128xi32, #tpu.memory_space<hbm>>
        %dma_start3A_467 = arith.constant 128 : i32
        %dma_start3A_468 = tpu.memref_slice %arg8[%dma_start3A_467] : memref<256xi32, #tpu.memory_space<vmem>> -> memref<128xi32, #tpu.memory_space<vmem>>
        %dma_start3A_469 = tpu.memref_slice %arg2[%add3A_462, %mul3A_2] : memref<200x4096xi32, #tpu.memory_space<hbm>> -> memref<1x128xi32, #tpu.memory_space<hbm>>
        %dma_start3A_470 = tpu.memref_squeeze %dma_start3A_469 : memref<1x128xi32, #tpu.memory_space<hbm>> -> memref<128xi32, #tpu.memory_space<hbm>>
        tpu.enqueue_dma source(%dma_start3A_470 : memref<128xi32, #tpu.memory_space<hbm>>) target(%dma_start3A_468 : memref<128xi32, #tpu.memory_space<vmem>>) target_semaphore(%arg18 : memref<!tpu.dma_semaphore, #tpu.memory_space<semaphore_mem>>)
      } else {
      }
      %ge3A_414 = arith.constant 2 : i32
      %ge3A_415 = arith.cmpi sge, %add3A_396, %ge3A_414 : i32
      %convert_element_type3A_416 = arith.extui %ge3A_415 : i1 to i32
      %cond3A_417 = arith.constant 0 : i32
      %cond3A_418 = arith.cmpi ne, %convert_element_type3A_416, %cond3A_417 : i32
      scf.if %cond3A_418 {
        %dma_wait3A_447 = arith.constant 0 : i32
        %dma_wait3A_448 = arith.constant 0 : i32
        %dma_wait3A_449 = arith.constant 0 : i32
        %dma_wait3A_450 = arith.constant 0 : i32
        %dma_wait3A_451 = tpu.memref_slice %arg14[%dma_wait3A_447, %dma_wait3A_448, %dma_wait3A_449, %dma_wait3A_450] : memref<2x8x8x129xf32, #tpu.memory_space<vmem>> -> memref<2x8x8x128xf32, #tpu.memory_space<vmem>>
        %dma_wait3A_452 = arith.constant 0 : i32
        %dma_wait3A_453 = arith.constant 0 : i32
        %dma_wait3A_454 = arith.constant 0 : i32
        %dma_wait3A_455 = arith.constant 0 : i32
        %dma_wait3A_456 = tpu.memref_slice %arg4[%dma_wait3A_452, %dma_wait3A_453, %add3A, %dma_wait3A_454, %dma_wait3A_455] : memref<200x8x32x8x128xf32, #tpu.memory_space<hbm>> -> memref<2x8x1x8x128xf32, #tpu.memory_space<hbm>>
        %dma_wait3A_457 = tpu.memref_squeeze %dma_wait3A_456 : memref<2x8x1x8x128xf32, #tpu.memory_space<hbm>> -> memref<2x8x8x128xf32, #tpu.memory_space<hbm>>
        %dma_wait3A_458 = arith.constant 0 : i32
        %dma_wait3A_459 = arith.constant 0 : i32
        %dma_wait3A_460 = arith.constant 0 : i32
        %dma_wait3A_461 = arith.constant 0 : i32
        %dma_wait3A_462 = tpu.memref_slice %arg4[%dma_wait3A_458, %dma_wait3A_459, %add3A, %dma_wait3A_460, %dma_wait3A_461] : memref<200x8x32x8x128xf32, #tpu.memory_space<hbm>> -> memref<2x8x1x8x128xf32, #tpu.memory_space<hbm>>
        %dma_wait3A_463 = tpu.memref_squeeze %dma_wait3A_462 : memref<2x8x1x8x128xf32, #tpu.memory_space<hbm>> -> memref<2x8x8x128xf32, #tpu.memory_space<hbm>>
        %dma_wait3A_464 = arith.constant 0 : i32
        %dma_wait3A_465 = arith.constant 0 : i32
        %dma_wait3A_466 = arith.constant 0 : i32
        %dma_wait3A_467 = arith.constant 0 : i32
        %dma_wait3A_468 = tpu.memref_slice %arg14[%dma_wait3A_464, %dma_wait3A_465, %dma_wait3A_466, %dma_wait3A_467] : memref<2x8x8x129xf32, #tpu.memory_space<vmem>> -> memref<2x8x8x128xf32, #tpu.memory_space<vmem>>
        tpu.wait_dma2 semaphore(%arg24 : memref<!tpu.dma_semaphore, #tpu.memory_space<semaphore_mem>>) src(%dma_wait3A_468 : memref<2x8x8x128xf32, #tpu.memory_space<vmem>>) dst(%dma_wait3A_463 : memref<2x8x8x128xf32, #tpu.memory_space<hbm>>)
      } else {
      }
      %scan3A_419 = arith.constant 0 : i32
      %scan3A_420 = arith.constant 0 : i32
      %scan3A_421 = arith.constant 256 : i32
      %scan3A_422 = arith.addi %scan3A_420, %scan3A_421 : i32
      %scan3A_423 = arith.constant 2 : i32
      scf.for %scan3A_447 = %scan3A_420 to %scan3A_422 step %scan3A_423  : i32 {
        %shift_right_arithmetic3A = arith.constant 7 : i32
        %shift_right_arithmetic3A_448 = arith.shrsi %scan3A_447, %shift_right_arithmetic3A : i32
        %add3A_449 = vector.broadcast %shift_right_arithmetic3A_448 : i32 to vector<16xi32>
        %add3A_450 = arith.addi %mul3A_5, %add3A_449 : vector<16xi32>
        %and3A_451 = arith.constant 127 : i32
        %and3A_452 = arith.andi %scan3A_447, %and3A_451 : i32
        %add3A_453 = vector.broadcast %and3A_452 : i32 to vector<16xi32>
        %add3A_454 = arith.addi %mul3A_5, %add3A_453 : vector<16xi32>
        %get3A = arith.index_cast %scan3A_447 : i32 to index
        %get3A_455 = arith.constant 0 : index
        %get3A_456 = tpu.vector_load %arg12[%get3A, %get3A_455] {strides = array<i32>} : memref<256x64xf32, #tpu.memory_space<vmem>>, vector<16xf32>,
        %mul3A_457 = arith.constant 8.000000e+00 : f32
        %mul3A_458 = vector.broadcast %mul3A_457 : f32 to vector<16xf32>
        %mul3A_459 = arith.mulf %get3A_456, %mul3A_458 : vector<16xf32>
        %get3A_460 = arith.index_cast %scan3A_447 : i32 to index
        %get3A_461 = arith.constant 16 : index
        %get3A_462 = tpu.vector_load %arg12[%get3A_460, %get3A_461] {strides = array<i32>} : memref<256x64xf32, #tpu.memory_space<vmem>>, vector<16xf32>,
        %mul3A_463 = arith.constant 8.000000e+00 : f32
        %mul3A_464 = vector.broadcast %mul3A_463 : f32 to vector<16xf32>
        %mul3A_465 = arith.mulf %get3A_462, %mul3A_464 : vector<16xf32>
        %get3A_466 = arith.index_cast %scan3A_447 : i32 to index
        %get3A_467 = arith.constant 32 : index
        %get3A_468 = tpu.vector_load %arg12[%get3A_466, %get3A_467] {strides = array<i32>} : memref<256x64xf32, #tpu.memory_space<vmem>>, vector<16xf32>,
        %mul3A_469 = arith.constant 8.000000e+00 : f32
        %mul3A_470 = vector.broadcast %mul3A_469 : f32 to vector<16xf32>
        %mul3A_471 = arith.mulf %get3A_468, %mul3A_470 : vector<16xf32>
        %get3A_472 = arith.index_cast %scan3A_447 : i32 to index
        %get3A_473 = arith.constant 48 : index
        %get3A_474 = tpu.vector_load %arg12[%get3A_472, %get3A_473] {strides = array<i32>} : memref<256x64xf32, #tpu.memory_space<vmem>>, vector<16xf32>,
        %mul3A_475 = arith.constant 8.000000e+00 : f32
        %mul3A_476 = vector.broadcast %mul3A_475 : f32 to vector<16xf32>
        %mul3A_477 = arith.mulf %get3A_474, %mul3A_476 : vector<16xf32>
        tpu.vector_store_idx %arg14[%add3A_450, %shift_right_logical3A_10, %and3A_33, %add3A_454], %mul3A_459 : memref<2x8x8x129xf32, #tpu.memory_space<vmem>>[vector<16xi32>, vector<16xi32>, vector<16xi32>, vector<16xi32>], vector<16xf32>,
        tpu.vector_store_idx %arg14[%add3A_450, %shift_right_logical3A_16, %and3A_39, %add3A_454], %mul3A_465 : memref<2x8x8x129xf32, #tpu.memory_space<vmem>>[vector<16xi32>, vector<16xi32>, vector<16xi32>, vector<16xi32>], vector<16xf32>,
        tpu.vector_store_idx %arg14[%add3A_450, %shift_right_logical3A_22, %and3A_45, %add3A_454], %mul3A_471 : memref<2x8x8x129xf32, #tpu.memory_space<vmem>>[vector<16xi32>, vector<16xi32>, vector<16xi32>, vector<16xi32>], vector<16xf32>,
        tpu.vector_store_idx %arg14[%add3A_450, %shift_right_logical3A_28, %and3A_51, %add3A_454], %mul3A_477 : memref<2x8x8x129xf32, #tpu.memory_space<vmem>>[vector<16xi32>, vector<16xi32>, vector<16xi32>, vector<16xi32>], vector<16xf32>,
        %scan3A_478 = arith.constant 1 : i32
        %scan3A_479 = arith.addi %scan3A_447, %scan3A_478 : i32
        %shift_right_arithmetic3A_480 = arith.constant 7 : i32
        %shift_right_arithmetic3A_481 = arith.shrsi %scan3A_479, %shift_right_arithmetic3A_480 : i32
        %add3A_482 = vector.broadcast %shift_right_arithmetic3A_481 : i32 to vector<16xi32>
        %add3A_483 = arith.addi %mul3A_5, %add3A_482 : vector<16xi32>
        %and3A_484 = arith.constant 127 : i32
        %and3A_485 = arith.andi %scan3A_479, %and3A_484 : i32
        %add3A_486 = vector.broadcast %and3A_485 : i32 to vector<16xi32>
        %add3A_487 = arith.addi %mul3A_5, %add3A_486 : vector<16xi32>
        %get3A_488 = arith.index_cast %scan3A_479 : i32 to index
        %get3A_489 = arith.constant 0 : index
        %get3A_490 = tpu.vector_load %arg12[%get3A_488, %get3A_489] {strides = array<i32>} : memref<256x64xf32, #tpu.memory_space<vmem>>, vector<16xf32>,
        %mul3A_491 = arith.constant 8.000000e+00 : f32
        %mul3A_492 = vector.broadcast %mul3A_491 : f32 to vector<16xf32>
        %mul3A_493 = arith.mulf %get3A_490, %mul3A_492 : vector<16xf32>
        %get3A_494 = arith.index_cast %scan3A_479 : i32 to index
        %get3A_495 = arith.constant 16 : index
        %get3A_496 = tpu.vector_load %arg12[%get3A_494, %get3A_495] {strides = array<i32>} : memref<256x64xf32, #tpu.memory_space<vmem>>, vector<16xf32>,
        %mul3A_497 = arith.constant 8.000000e+00 : f32
        %mul3A_498 = vector.broadcast %mul3A_497 : f32 to vector<16xf32>
        %mul3A_499 = arith.mulf %get3A_496, %mul3A_498 : vector<16xf32>
        %get3A_500 = arith.index_cast %scan3A_479 : i32 to index
        %get3A_501 = arith.constant 32 : index
        %get3A_502 = tpu.vector_load %arg12[%get3A_500, %get3A_501] {strides = array<i32>} : memref<256x64xf32, #tpu.memory_space<vmem>>, vector<16xf32>,
        %mul3A_503 = arith.constant 8.000000e+00 : f32
        %mul3A_504 = vector.broadcast %mul3A_503 : f32 to vector<16xf32>
        %mul3A_505 = arith.mulf %get3A_502, %mul3A_504 : vector<16xf32>
        %get3A_506 = arith.index_cast %scan3A_479 : i32 to index
        %get3A_507 = arith.constant 48 : index
        %get3A_508 = tpu.vector_load %arg12[%get3A_506, %get3A_507] {strides = array<i32>} : memref<256x64xf32, #tpu.memory_space<vmem>>, vector<16xf32>,
        %mul3A_509 = arith.constant 8.000000e+00 : f32
        %mul3A_510 = vector.broadcast %mul3A_509 : f32 to vector<16xf32>
        %mul3A_511 = arith.mulf %get3A_508, %mul3A_510 : vector<16xf32>
        tpu.vector_store_idx %arg14[%add3A_483, %shift_right_logical3A_10, %and3A_33, %add3A_487], %mul3A_493 : memref<2x8x8x129xf32, #tpu.memory_space<vmem>>[vector<16xi32>, vector<16xi32>, vector<16xi32>, vector<16xi32>], vector<16xf32>,
        tpu.vector_store_idx %arg14[%add3A_483, %shift_right_logical3A_16, %and3A_39, %add3A_487], %mul3A_499 : memref<2x8x8x129xf32, #tpu.memory_space<vmem>>[vector<16xi32>, vector<16xi32>, vector<16xi32>, vector<16xi32>], vector<16xf32>,
        tpu.vector_store_idx %arg14[%add3A_483, %shift_right_logical3A_22, %and3A_45, %add3A_487], %mul3A_505 : memref<2x8x8x129xf32, #tpu.memory_space<vmem>>[vector<16xi32>, vector<16xi32>, vector<16xi32>, vector<16xi32>], vector<16xf32>,
        tpu.vector_store_idx %arg14[%add3A_483, %shift_right_logical3A_28, %and3A_51, %add3A_487], %mul3A_511 : memref<2x8x8x129xf32, #tpu.memory_space<vmem>>[vector<16xi32>, vector<16xi32>, vector<16xi32>, vector<16xi32>], vector<16xf32>,
      }
      %scan3A_424 = arith.constant 256 : i32
      %mul3A_425 = arith.constant 2 : i32
      %mul3A_426 = arith.muli %mul3A_425, %add3A_396 : i32
      %dma_start3A_427 = arith.constant 0 : i32
      %dma_start3A_428 = arith.constant 0 : i32
      %dma_start3A_429 = arith.constant 0 : i32
      %dma_start3A_430 = arith.constant 0 : i32
      %dma_start3A_431 = tpu.memref_slice %arg14[%dma_start3A_427, %dma_start3A_428, %dma_start3A_429, %dma_start3A_430] : memref<2x8x8x129xf32, #tpu.memory_space<vmem>> -> memref<2x8x8x128xf32, #tpu.memory_space<vmem>>
      %dma_start3A_432 = arith.constant 0 : i32
      %dma_start3A_433 = arith.constant 0 : i32
      %dma_start3A_434 = arith.constant 0 : i32
      %dma_start3A_435 = tpu.memref_slice %arg4[%mul3A_426, %dma_start3A_432, %add3A, %dma_start3A_433, %dma_start3A_434] : memref<200x8x32x8x128xf32, #tpu.memory_space<hbm>> -> memref<2x8x1x8x128xf32, #tpu.memory_space<hbm>>
      %dma_start3A_436 = tpu.memref_squeeze %dma_start3A_435 : memref<2x8x1x8x128xf32, #tpu.memory_space<hbm>> -> memref<2x8x8x128xf32, #tpu.memory_space<hbm>>
      %dma_start3A_437 = arith.constant 0 : i32
      %dma_start3A_438 = arith.constant 0 : i32
      %dma_start3A_439 = arith.constant 0 : i32
      %dma_start3A_440 = tpu.memref_slice %arg4[%mul3A_426, %dma_start3A_437, %add3A, %dma_start3A_438, %dma_start3A_439] : memref<200x8x32x8x128xf32, #tpu.memory_space<hbm>> -> memref<2x8x1x8x128xf32, #tpu.memory_space<hbm>>
      %dma_start3A_441 = tpu.memref_squeeze %dma_start3A_440 : memref<2x8x1x8x128xf32, #tpu.memory_space<hbm>> -> memref<2x8x8x128xf32, #tpu.memory_space<hbm>>
      %dma_start3A_442 = arith.constant 0 : i32
      %dma_start3A_443 = arith.constant 0 : i32
      %dma_start3A_444 = arith.constant 0 : i32
      %dma_start3A_445 = arith.constant 0 : i32
      %dma_start3A_446 = tpu.memref_slice %arg14[%dma_start3A_442, %dma_start3A_443, %dma_start3A_444, %dma_start3A_445] : memref<2x8x8x129xf32, #tpu.memory_space<vmem>> -> memref<2x8x8x128xf32, #tpu.memory_space<vmem>>
      tpu.enqueue_dma source(%dma_start3A_446 : memref<2x8x8x128xf32, #tpu.memory_space<vmem>>) target(%dma_start3A_441 : memref<2x8x8x128xf32, #tpu.memory_space<hbm>>) target_semaphore(%arg24 : memref<!tpu.dma_semaphore, #tpu.memory_space<semaphore_mem>>)
    }
    %scan3A_189 = arith.constant 25 : i32
    %dma_wait3A_190 = arith.constant 0 : i32
    %dma_wait3A_191 = arith.constant 0 : i32
    %dma_wait3A_192 = arith.constant 0 : i32
    %dma_wait3A_193 = arith.constant 0 : i32
    %dma_wait3A_194 = tpu.memref_slice %arg13[%dma_wait3A_190, %dma_wait3A_191, %dma_wait3A_192, %dma_wait3A_193] : memref<2x8x8x129xf32, #tpu.memory_space<vmem>> -> memref<2x8x8x128xf32, #tpu.memory_space<vmem>>
    %dma_wait3A_195 = arith.constant 0 : i32
    %dma_wait3A_196 = arith.constant 0 : i32
    %dma_wait3A_197 = arith.constant 0 : i32
    %dma_wait3A_198 = arith.constant 0 : i32
    %dma_wait3A_199 = tpu.memref_slice %arg4[%dma_wait3A_195, %dma_wait3A_196, %add3A, %dma_wait3A_197, %dma_wait3A_198] : memref<200x8x32x8x128xf32, #tpu.memory_space<hbm>> -> memref<2x8x1x8x128xf32, #tpu.memory_space<hbm>>
    %dma_wait3A_200 = tpu.memref_squeeze %dma_wait3A_199 : memref<2x8x1x8x128xf32, #tpu.memory_space<hbm>> -> memref<2x8x8x128xf32, #tpu.memory_space<hbm>>
    %dma_wait3A_201 = arith.constant 0 : i32
    %dma_wait3A_202 = arith.constant 0 : i32
    %dma_wait3A_203 = arith.constant 0 : i32
    %dma_wait3A_204 = arith.constant 0 : i32
    %dma_wait3A_205 = tpu.memref_slice %arg4[%dma_wait3A_201, %dma_wait3A_202, %add3A, %dma_wait3A_203, %dma_wait3A_204] : memref<200x8x32x8x128xf32, #tpu.memory_space<hbm>> -> memref<2x8x1x8x128xf32, #tpu.memory_space<hbm>>
    %dma_wait3A_206 = tpu.memref_squeeze %dma_wait3A_205 : memref<2x8x1x8x128xf32, #tpu.memory_space<hbm>> -> memref<2x8x8x128xf32, #tpu.memory_space<hbm>>
    %dma_wait3A_207 = arith.constant 0 : i32
    %dma_wait3A_208 = arith.constant 0 : i32
    %dma_wait3A_209 = arith.constant 0 : i32
    %dma_wait3A_210 = arith.constant 0 : i32
    %dma_wait3A_211 = tpu.memref_slice %arg13[%dma_wait3A_207, %dma_wait3A_208, %dma_wait3A_209, %dma_wait3A_210] : memref<2x8x8x129xf32, #tpu.memory_space<vmem>> -> memref<2x8x8x128xf32, #tpu.memory_space<vmem>>
    tpu.wait_dma2 semaphore(%arg23 : memref<!tpu.dma_semaphore, #tpu.memory_space<semaphore_mem>>) src(%dma_wait3A_211 : memref<2x8x8x128xf32, #tpu.memory_space<vmem>>) dst(%dma_wait3A_206 : memref<2x8x8x128xf32, #tpu.memory_space<hbm>>)
    %dma_wait3A_212 = arith.constant 0 : i32
    %dma_wait3A_213 = arith.constant 0 : i32
    %dma_wait3A_214 = arith.constant 0 : i32
    %dma_wait3A_215 = arith.constant 0 : i32
    %dma_wait3A_216 = tpu.memref_slice %arg14[%dma_wait3A_212, %dma_wait3A_213, %dma_wait3A_214, %dma_wait3A_215] : memref<2x8x8x129xf32, #tpu.memory_space<vmem>> -> memref<2x8x8x128xf32, #tpu.memory_space<vmem>>
    %dma_wait3A_217 = arith.constant 0 : i32
    %dma_wait3A_218 = arith.constant 0 : i32
    %dma_wait3A_219 = arith.constant 0 : i32
    %dma_wait3A_220 = arith.constant 0 : i32
    %dma_wait3A_221 = tpu.memref_slice %arg4[%dma_wait3A_217, %dma_wait3A_218, %add3A, %dma_wait3A_219, %dma_wait3A_220] : memref<200x8x32x8x128xf32, #tpu.memory_space<hbm>> -> memref<2x8x1x8x128xf32, #tpu.memory_space<hbm>>
    %dma_wait3A_222 = tpu.memref_squeeze %dma_wait3A_221 : memref<2x8x1x8x128xf32, #tpu.memory_space<hbm>> -> memref<2x8x8x128xf32, #tpu.memory_space<hbm>>
    %dma_wait3A_223 = arith.constant 0 : i32
    %dma_wait3A_224 = arith.constant 0 : i32
    %dma_wait3A_225 = arith.constant 0 : i32
    %dma_wait3A_226 = arith.constant 0 : i32
    %dma_wait3A_227 = tpu.memref_slice %arg4[%dma_wait3A_223, %dma_wait3A_224, %add3A, %dma_wait3A_225, %dma_wait3A_226] : memref<200x8x32x8x128xf32, #tpu.memory_space<hbm>> -> memref<2x8x1x8x128xf32, #tpu.memory_space<hbm>>
    %dma_wait3A_228 = tpu.memref_squeeze %dma_wait3A_227 : memref<2x8x1x8x128xf32, #tpu.memory_space<hbm>> -> memref<2x8x8x128xf32, #tpu.memory_space<hbm>>
    %dma_wait3A_229 = arith.constant 0 : i32
    %dma_wait3A_230 = arith.constant 0 : i32
    %dma_wait3A_231 = arith.constant 0 : i32
    %dma_wait3A_232 = arith.constant 0 : i32
    %dma_wait3A_233 = tpu.memref_slice %arg14[%dma_wait3A_229, %dma_wait3A_230, %dma_wait3A_231, %dma_wait3A_232] : memref<2x8x8x129xf32, #tpu.memory_space<vmem>> -> memref<2x8x8x128xf32, #tpu.memory_space<vmem>>
    tpu.wait_dma2 semaphore(%arg24 : memref<!tpu.dma_semaphore, #tpu.memory_space<semaphore_mem>>) src(%dma_wait3A_233 : memref<2x8x8x128xf32, #tpu.memory_space<vmem>>) dst(%dma_wait3A_228 : memref<2x8x8x128xf32, #tpu.memory_space<hbm>>)
    return
  }
}

</mosaic_0001>

<sc_bundles>
// kernel: kernel.3.cloned.1.call-start
scs
__scs_entry_jumppad:
0x0: {  	(pc) =	sbr.rel $0x88, $3  }
0x1: {  	(tag) =	ssettag $0x0;
	lr =	simm.s32 $0x1  }
0x2: {  	[smem:$0x3F9F] =	sst lr;
	_ =	strace $0xD0000000  }
0x3: {  	_ = 	snop  }
0x4: {  	_ = 	snop  }
0x5: {  	_ = 	snop  }
0x6: {  	_ = 	snop  }
0x7: {  	_ = 	snop  }
__scs_overlays_trampoline_lowered:
0x8: {  	[smem:$0x3FAE] =	sst s0  }
0x9: {  	[smem:$0x3FAF] =	sst s1  }
0xa: {  	[smem:$0x3FB0] =	sst s2  }
0xb: {  	[smem:$0x3FB1] =	sst s3  }
0xc: {  	[smem:$0x3FB2] =	sst s4  }
0xd: {  	[smem:$0x3FB3] =	sst s5  }
0xe: {  	[smem:$0x3FB4] =	sst s6  }
0xf: {  	[smem:$0x3FB5] =	sst s7  }
0x10: {  	[smem:$0x3FB6] =	sst s8  }
0x11: {  	[smem:$0x3FB7] =	sst s9;
	s0 =	simm.s32 @!p0 $0x0  }
0x12: {  	s1 =	sld [smem:$0x3F9D];
	s0 =	simm.s32 @p0 $0x1  }
0x13: {  	[smem:$0x3FB8] =	sst s0;
	s0 =	simm.s32 @!p1 $0x0  }
0x14: {  	s2 =	sld [smem:$0x3F9C];
	s0 =	simm.s32 @p1 $0x1  }
0x15: {  	[smem:$0x3FB9] =	sst s0;
	s0 =	simm.s32 @!p2 $0x0  }
0x16: {  	s3 =	sld [smem:$0x3FDB];
	s0 =	simm.s32 @p2 $0x1  }
0x17: {  	s4 =	simm.s32 $0x1BF5;
	[smem:$0x3FBB] =	sst s0  }
0x18: {  	s0 =	sld [smem:$0x3F9E];
	_ =	swait.ge [sflag:s4], $0x0  }
0x19: {  	s7 =	sld [smem:$0x3F9F]  }
0x1a: {  	s8 =	sadd.s32 $0xFFFFE003, lr  }
0x1b: {  	s9 =	sadd.s32 $0xFFFFFEF7, lr;
	s5 =	simm.s32 $0xFFFFFFFF;
	p2 =	slt.u32 s8, $0xFFFFF086  }
0x1c: {  	p1 =	slt.u32 s9, $0xF7A;
	s5 =	simm.s32 @!p2 $0x0  }
0x1d: {  	s5 =	simm.s32 @p1 $0x1;
	p0 =	seq.s32 s7, s2  }
0x1e: {  	s7 =	smul.u32 @!p0 $0xF7A, s2;
	p2 =	seq.s32 @!p0 s5, $0x0  }
0x1f: {  	s9 =	smul.u32 $0xF7A, s1;
	s8 =	simm.s32 @!p0 $0x1BF5;
	p2 =	por !p2, p0  }
0x20: {  	[sflag:s8] =	ssyncset.s32 @!p0 $0xFFFFF086;
	s6 =	sadd.s32 @!p0 s3, s7;
	s7 =	simm.s32 @!p0 $0x108  }
0x21: {  	s3 =	sadd.s32 s3, s9;
	s6 =	sadd.s32 @!p0 $0x88, s6;
	s7 =	simm.s32 @p2 $0x1082  }
0x22: {  	[simem:s7], [sflag:s8] =	dma.local @!p0 [hbm:s6], $0xF7A  }
0x23: {  	s9 =	sor.u32 $0xD0000000, s2;
	s6 =	simm.s32 $0x108;
	_ =	swait.ge @!p0 [sflag:s8], $0x0  }
0x24: {  	s3 =	sadd.s32 $0x88, s3;
	s6 =	simm.s32 @!p1 $0x1082;
	[sflag:s4] =	ssyncset.s32 $0xFFFFF086  }
0x25: {  	[simem:s6], [sflag:s4] =	dma.local [hbm:s3], $0xF7A  }
0x26: {  	[smem:$0x3F9F] =	sst s1;
	(tag) =	ssettag s2;
	_ =	strace s9  }
0x27: {  	s1 =	sld [smem:$0x3FAF]  }
0x28: {  	s2 =	sld [smem:$0x3FB0]  }
0x29: {  	s4 =	sld [smem:$0x3FB2]  }
0x2a: {  	p0 =	seq.s32 s5, $0x0;
	s5 =	sld [smem:$0x3FB3]  }
0x2b: {  	s6 =	sld [smem:$0x3FB4]  }
0x2c: {  	s7 =	sld [smem:$0x3FB5]  }
0x2d: {  	s3 =	simm.s32 $0x108;
	s8 =	sld [smem:$0x3FB6]  }
0x2e: {  	s3 =	simm.s32 @!p0 $0x1082;
	s9 =	sld [smem:$0x3FB7]  }
0x2f: {  	lr =	sadd.s32 s0, s3;
	s0 =	sld [smem:$0x3FAE]  }
0x30: {  	s3 =	sld [smem:$0x3FB1]  }
0x31: {  	[smem:$0x3FBA] =	sst s10  }
0x32: {  	s10 =	sld [smem:$0x3FB8];
	_ =	sdelay $0x3  }
0x33: {  	p0 =	seq.s32 s10, $0x1;
	s10 =	sld [smem:$0x3FBA];
	_ =	sdelay $0x3  }
0x34: {  	[smem:$0x3FBA] =	sst s10  }
0x35: {  	s10 =	sld [smem:$0x3FB9];
	_ =	sdelay $0x3  }
0x36: {  	p1 =	seq.s32 s10, $0x1;
	s10 =	sld [smem:$0x3FBA];
	_ =	sdelay $0x3  }
0x37: {  	[smem:$0x3FBA] =	sst s10  }
0x38: {  	s10 =	sld [smem:$0x3FBB]  }
0x39: {  	_ = 	snop;
	(pc) =	sbr.ind lr, $3  }
0x3a: {  	_ = 	snop  }
0x3b: {  	_ = 	snop  }
0x3c: {  	p2 =	seq.s32 s10, $0x1;
	s10 =	sld [smem:$0x3FBA]  }
0x3d: {  	_ =	shalt  }
0x3e: {  	_ =	shalt  }
0x3f: {  	_ =	shalt  }
0x40: {  	_ =	shalt  }
0x41: {  	_ =	shalt  }
0x42: {  	_ =	shalt  }
0x43: {  	_ =	shalt  }
0x44: {  	_ =	shalt  }
0x45: {  	_ =	shalt  }
0x46: {  	_ =	shalt  }
0x47: {  	_ =	shalt  }
0x48: {  	_ =	shalt  }
0x49: {  	_ =	shalt  }
0x4a: {  	_ =	shalt  }
0x4b: {  	_ =	shalt  }
0x4c: {  	_ =	shalt  }
0x4d: {  	_ =	shalt  }
0x4e: {  	_ =	shalt  }
0x4f: {  	_ =	shalt  }
0x50: {  	_ =	shalt  }
0x51: {  	_ =	shalt  }
0x52: {  	_ =	shalt  }
0x53: {  	_ =	shalt  }
0x54: {  	_ =	shalt  }
0x55: {  	_ =	shalt  }
0x56: {  	_ =	shalt  }
0x57: {  	_ =	shalt  }
0x58: {  	_ =	shalt  }
0x59: {  	_ =	shalt  }
0x5a: {  	_ =	shalt  }
0x5b: {  	_ =	shalt  }
0x5c: {  	_ =	shalt  }
0x5d: {  	_ =	shalt  }
0x5e: {  	_ =	shalt  }
0x5f: {  	_ =	shalt  }
0x60: {  	_ =	shalt  }
0x61: {  	_ =	shalt  }
0x62: {  	_ =	shalt  }
0x63: {  	_ =	shalt  }
0x64: {  	_ =	shalt  }
0x65: {  	_ =	shalt  }
0x66: {  	_ =	shalt  }
0x67: {  	_ =	shalt  }
0x68: {  	_ =	shalt  }
0x69: {  	_ =	shalt  }
0x6a: {  	_ =	shalt  }
0x6b: {  	_ =	shalt  }
0x6c: {  	_ =	shalt  }
0x6d: {  	_ =	shalt  }
0x6e: {  	_ =	shalt  }
0x6f: {  	_ =	shalt  }
0x70: {  	_ =	shalt  }
0x71: {  	_ =	shalt  }
0x72: {  	_ =	shalt  }
0x73: {  	_ =	shalt  }
0x74: {  	_ =	shalt  }
0x75: {  	_ =	shalt  }
0x76: {  	_ =	shalt  }
0x77: {  	_ =	shalt  }
0x78: {  	_ =	shalt  }
0x79: {  	_ =	shalt  }
0x7a: {  	_ =	shalt  }
0x7b: {  	_ =	shalt  }
0x7c: {  	_ =	shalt  }
0x7d: {  	_ =	shalt  }
0x7e: {  	_ =	shalt  }
0x7f: {  	_ =	shalt  }
0x80: {  	_ =	shalt  }
0x81: {  	_ =	shalt  }
0x82: {  	_ =	shalt  }
0x83: {  	_ =	shalt  }
0x84: {  	_ =	shalt  }
0x85: {  	_ =	shalt  }
0x86: {  	_ =	shalt  }
0x87: {  	_ =	shalt  }
.Lfunc_end0:
.L_simem_size_0:
called_computation_lowered:
.L_overlay_start_0:
0x88: {  	s2 =	sld [smem:$0x3FD9]  }
0x89: {  	s3 =	sld [smem:$0x3FFE];
	_ =	sdelay $0x1  }
0x8a: {  	s1 =	srdreg.scid  }
0x8b: {  	s0 =	sand.u32 $0x1, s1  }
0x8c: {  	s17 =	sshll.u32 s0, $0xA;
	s2 =	sadd.s32 s3, s2  }
0x8d: {  	s2 =	sadd.s32 s2, s17  }
0x8e: {  	[smem:$0x3FC6] =	sst s2  }
0x8f: {  	_ = 	snop  }
0x90: {  	s2 =	sld [smem:$0x3FD0];
	(tm) =	ssettm $0x1  }
0x91: {  	s18 =	sld [smem:$0x3FFB];
	_ =	sdelay $0x3  }
0x92: {  	_ =	strace s18  }
0x93: {  	s3 =	sld [smem:$0x3FFC];
	_ =	sdelay $0x3  }
0x94: {  	_ =	strace s3  }
0x95: {  	s3 =	sld [smem:$0x3FFD];
	_ =	sdelay $0x3  }
0x96: {  	_ =	strace s3  }
0x97: {  	_ =	strace $0x8FFFFFFF  }
0x98: {  	s19 =	sld [smem:$0x3FDB];
	_ =	sdelay $0x1  }
0x99: {  	s4 =	simm.s32 $_scs_section_size  }
0x9a: {  	s5 =	simm.s32 $_size__tile_overlayer_lowered;
	s6 =	simm.s32 $_tile_overlayer_lowered  }
0x9b: {  	s22 =	simm.s32 $0x1BFF;
	s21 =	sshll.u32 s6, $0x1;
	s3 =	sadd.s32 s4, s19  }
0x9c: {  	s7 =	simm.s32 $0x0;
	s20 =	sshll.u32 s5, $0x1;
	s5 =	sadd.s32 s21, s3  }
0x9d: {  	[timem:s7], [sflag:s22] =	dma.local [hbm:s5], s20  }
0x9e: {  	_ =	swait.ge [sflag:s22], s20  }
0x9f: {  	s4 =	ssub.s32 $0x0, s20;
	[sflag:s22] =	ssyncset.done $0x0  }
0xa0: {  	[sflag:s22] =	ssyncadd.s32 s4;
	_ =	sdelay $0x1  }
0xa1: {  	s23 =	simm.s32 $0x1B8B  }
0xa2: {  	_ =	swait.ge [sflag:s23], $0x1  }
0xa3: {  	[sflag:s23] =	ssyncset.done $0x0  }
0xa4: {  	s25 =	simm.s32 $0x1B8E;
	s24 =	sld [smem:$0x3FFE];
	[sflag:s23] =	ssyncadd.s32 $0xFFFFFFFF  }
0xa5: {  	s26 =	simm.s32 $execute0_lowered;
	[smem:$0x3FD2] =	sst s25  }
0xa6: {  	s5 =	sshll.u32 s26, $0x1;
	_ =	strace $0x80000046;
	[dreg:$0x1] =	wrdreg $0xFFFFFFFF  }
0xa7: {  	s28 =	simm.s32 $_size_execute0_lowered;
	s3 =	sadd.s32 s3, s5;
	[dreg:$0x0] =	wrdreg $0x0  }
0xa8: {  	s5 =	sshll.u32 s28, $0x1;
	[dreg:$0x2] =	wrdreg s3  }
0xa9: {  	[dreg:$0x3] =	wrdreg s5  }
0xaa: {  	[dreg:$0x4] =	wrdreg $0xC0  }
0xab: {  	_ =	task [dreg:s7], $0x5FFFF  }
0xac: {  	[dreg:$0x1] =	wrdreg $0xFFFFFFFF  }
0xad: {  	[dreg:$0x0] =	wrdreg $0x60  }
0xae: {  	[dreg:$0x2] =	wrdreg s24  }
0xaf: {  	[dreg:$0x3] =	wrdreg s2  }
0xb0: {  	[dreg:$0x4] =	wrdreg $0x9  }
0xb1: {  	_ =	task.clear_ibuf [dreg:s7], $0x5FFFF;
	_ =	strace $0x90000046  }
0xb2: {  	s29 =	simm.s32 $0x9;
	_ =	strace $0x80000048  }
0xb3: {  	_ =	swait.ge [sflag:s29], $0x1  }
0xb4: {  	[sflag:s29] =	ssyncadd.s32 $0xFFFFFFFF  }
0xb5: {  	_ =	strace $0x90000048  }
0xb6: {  	_ =	sfence  }
0xb7: {  	s30 =	sld [smem:$0x0];
	_ =	sdelay $0x2  }
0xb8: {  	s31 =	sshll.u32 s1, $0xD;
	s1 =	sshrl.u32 s1, $0x2  }
0xb9: {  	s3 =	sand.u32 $0x4000, s31;
	s1 =	sadd.s32 s1, s30  }
0xba: {  	s0 =	sor.u32 s3, s0;
	s1 =	sshll.u32 s1, $0x11  }
0xbb: {  	s0 =	sor.u32 s1, s0  }
0xbc: {  	s0 =	sadd.s32 $0x8F2B, s0  }
0xbd: {  	[sflag:s0] =	ssyncadd.remote.s32 $0x1  }
0xbe: {  	_ =	sfence.sel $0xFFFF  }
0xbf: {  	[dreg:$0x0] =	wrdreg $0xFFFFFFFF;
	(pc) =	sbr.abs _section_cstart, $3  }
0xc0: {  	[dreg:$0x1] =	wrdreg $0xFFFFFFFF  }
0xc1: {  	_ =	task.clear_ibuf [dreg:s7], $0x2FFFF;
	_ =	strace $0x9FFFFFFF  }
0xc2: {  	(tm) =	ssettm $0x7FFFFFFF  }
0xc3: {  	_ =	shalt  }
tec
execute0_lowered:
.L_overlay_start_1:
0x0: {  	(tag) =	ssettag $0x1  }
0x1: {  	s0 =	rddreg [dreg:$0x0]  }
0x2: {  	s9 =	rddreg [dreg:$0x1];
	s3 =	simm.s32 $0x0  }
0x3: {  	s1 =	srdreg.scid;
	s4 =	stileid.u32;
	s28 =	simm.s32 $0x10400  }
0x4: {  	s10 =	simm.s32 $0x14800;
	s11 =	simm.s32 $0x7;
	s12 =	simm.s32 $0x9  }
0x5: {  	s13 =	simm.s32 $0x8;
	s14 =	simm.s32 $0xA;
	[smem:$0x7FF] =	sst s3  }
0x6: {  	s1 =	sand.u32 $0x1, s1;
	s5 =	sshll.u32 s4, $0x1;
	s4 =	sadd.s32 $0x600, s0  }
0x7: {  	s8 =	sadd.s32 $0x800, s0;
	s20 =	sadd.s32 $0x10000, s9;
	s21 =	sadd.s32 $0x20000, s9  }
0x8: {  	_ =	strace $0x80000047;
	s2 =	ssub.s32 $0x2, s1;
	s1 =	sor.u32 s1, s5  }
0x9: {  	s5 =	sadd.s32 $0xF42A00, s0;
	s6 =	sshrl.u32 s2, $0x1;
	s7 =	sshll.u32 s1, $0x4  }
0xa: {  	s2 =	ssub.s32 s2, s6;
	s6 =	sshll.u32 s1, $0x7;
	s0 =	sadd.s32 s7, s8  }
0xb: {  	s22 =	sadd.s32 s4, s7;
	s1 =	simm.s32 $0x0;
	[dreg:$0x4] =	wrdreg s0  }
0xc: {  	s23 =	sadd.s32 $0x400, s22;
	s24 =	sadd.s32 $0x600, s22;
	[dreg:$0x3] =	wrdreg s22  }
0xd: {  	s25 =	sadd.s32 $0x800, s22;
	s26 =	sadd.s32 $0xA00, s22;
	[dreg:$0x5] =	wrdreg s23  }
0xe: {  	s29 =	sadd.s32 $0xC00, s22;
	s30 =	sadd.s32 $0xE00, s22;
	[dreg:$0x6] =	wrdreg s24  }
0xf: {  	s16 =	sor.u32 $0x8000, s6;
	s17 =	sor.u32 $0xA000, s6;
	[dreg:$0x7] =	wrdreg s25  }
0x10: {  	v0 =	vlaneseq.u32;
	s18 =	sor.u32 $0xC000, s6;
	s19 =	sor.u32 $0xE000, s6;
	[dreg:$0x8] =	wrdreg s26  }
0x11: {  	v0 =	vmul.u32 $0x88, v0;
	s22 =	sadd.s32 $0x30000, s9;
	s31 =	smax.u32 s2, $0x1;
	[dreg:$0x9] =	wrdreg s29  }
0x12: {  	s2 =	simm.s32 $0x5;
	s9 =	simm.s32 $0x6;
	[dreg:$0xa] =	wrdreg s30  }
0x13: {  	v1 =	vadd.s32 $0x880, v0;
	v2 =	vadd.s32 $0x1100, v0;
	v3 =	vadd.s32 $0x1980, v0;
	[dreg:$0xb] =	wrdreg s31;
	s25 =	simm.s32 $0x100;
	s26 =	simm.s32 $0x4  }
.LBB2_1:
0x14: {  	[dreg:$0xc] =	wrdreg s1  }
0x15: {  	s0 =	rddreg [dreg:$0x3]  }
0x16: {  	[tilespmem:s3], [sflag:$0x1] =	stream.linear.gather [hbm4b:s0+s3], $0x80, $0x38;
	[tilespmem:$0x18C00] =	vst v63  }
0x17: {  	s29 =	rddreg [dreg:$0x4];
	s30 =	simm.s32 $0x80  }
0x18: {  	[tilespmem:s30], [sflag:$0x1] =	stream.linear.gather [hbm4b:s29+s3], $0x80, $0x38;
	[tilespmem:$0x18C00] =	vst v63  }
0x19: {  	s31 =	rddreg [dreg:$0x5]  }
0x1a: {  	[tilespmem:s25], [sflag:$0x2] =	stream.linear.gather [hbm4b:s31+s3], $0x80, $0x38;
	[tilespmem:$0x18C00] =	vst v63  }
0x1b: {  	s1 =	rddreg [dreg:$0x6];
	s7 =	simm.s32 $0x180  }
0x1c: {  	[tilespmem:s7], [sflag:$0x2] =	stream.linear.gather [hbm4b:s1+s3], $0x80, $0x38;
	[tilespmem:$0x18C00] =	vst v63  }
0x1d: {  	s15 =	rddreg [dreg:$0x7];
	s1 =	simm.s32 $0x200  }
0x1e: {  	[tilespmem:s1], [sflag:$0x3] =	stream.linear.gather [hbm4b:s15+s3], $0x80, $0x38;
	[tilespmem:$0x18C00] =	vst v63  }
0x1f: {  	s23 =	rddreg [dreg:$0x8];
	s7 =	simm.s32 $0x280  }
0x20: {  	[tilespmem:s7], [sflag:$0x3] =	stream.linear.gather [hbm4b:s23+s3], $0x80, $0x38;
	[tilespmem:$0x18C00] =	vst v63  }
0x21: {  	s24 =	rddreg [dreg:$0x9];
	s29 =	simm.s32 $0x300  }
0x22: {  	[tilespmem:s29], [sflag:$0x4] =	stream.linear.gather [hbm4b:s24+s3], $0x80, $0x38;
	[tilespmem:$0x18C00] =	vst v63  }
0x23: {  	s30 =	rddreg [dreg:$0xa];
	s31 =	simm.s32 $0x380;
	s15 =	simm.s32 $0x1  }
0x24: {  	[tilespmem:s31], [sflag:$0x4] =	stream.linear.gather [hbm4b:s30+s3], $0x80, $0x38;
	[tilespmem:$0x18C00] =	vst v63  }
0x25: {  	_ =	swait.ge [sflag:s15], $0x80  }
0x26: {  	[sflag:s15] =	ssyncset.done $0x0  }
0x27: {  	[sflag:s15] =	ssyncadd.s32 $0xFFFFFF80  }
0x28: {  	_ =	swait.ge [sflag:s15], $0x80  }
0x29: {  	[sflag:s15] =	ssyncset.done $0x0  }
0x2a: {  	s23 =	simm.s32 $0x400;
	s24 =	simm.s32 $0x2;
	[sflag:s15] =	ssyncadd.s32 $0xFFFFFF80  }
0x2b: {  	[tilespmem:s23], [sflag:$0x5] =	stream.indirect.gather [hbm4b:s5+s25], $0x40, s3, s25, $0xb8;
	[tilespmem:$0x18C00] =	vst v63  }
0x2c: {  	_ =	swait.ge [sflag:s24], $0x80  }
0x2d: {  	[sflag:s24] =	ssyncset.done $0x0  }
0x2e: {  	[sflag:s24] =	ssyncadd.s32 $0xFFFFFF80  }
0x2f: {  	_ =	swait.ge [sflag:s24], $0x80  }
0x30: {  	[sflag:s24] =	ssyncset.done $0x0  }
0x31: {  	s29 =	simm.s32 $0x4400;
	s30 =	simm.s32 $0x3;
	[sflag:s24] =	ssyncadd.s32 $0xFFFFFF80  }
0x32: {  	[tilespmem:s29], [sflag:$0x6] =	stream.indirect.gather [hbm4b:s5+s25], $0x40, s25, s25, $0xb8;
	[tilespmem:$0x18C00] =	vst v63  }
0x33: {  	_ =	swait.ge [sflag:s30], $0x80  }
0x34: {  	[sflag:s30] =	ssyncset.done $0x0  }
0x35: {  	[sflag:s30] =	ssyncadd.s32 $0xFFFFFF80  }
0x36: {  	_ =	swait.ge [sflag:s30], $0x80  }
0x37: {  	[sflag:s30] =	ssyncset.done $0x0  }
0x38: {  	s31 =	simm.s32 $0x8400;
	s23 =	simm.s32 $0x0;
	[sflag:s30] =	ssyncadd.s32 $0xFFFFFF80  }
0x39: {  	[tilespmem:s31], [sflag:$0x7] =	stream.indirect.gather [hbm4b:s5+s25], $0x40, s1, s25, $0xb8;
	[tilespmem:$0x18C00] =	vst v63  }
.LBB2_2:
0x3a: {  	_ =	swait.ge [sflag:s2], $0x4000  }
0x3b: {  	[sflag:s2] =	ssyncset.done $0x0  }
0x3c: {  	[sflag:s2] =	ssyncadd.s32 $0xFFFFC000  }
0x3d: {  	_ =	swait.ge [sflag:s26], $0x80  }
0x3e: {  	[sflag:s26] =	ssyncset.done $0x0  }
0x3f: {  	[sflag:s26] =	ssyncadd.s32 $0xFFFFFF80  }
0x40: {  	s0 =	simm.s32 $0x300;
	_ =	swait.ge [sflag:s26], $0x80  }
0x41: {  	s1 =	simm.s32 $0xC400;
	p0 =	seq.s32 s23, $0x18;
	[sflag:s26] =	ssyncset.done $0x0  }
0x42: {  	s7 =	sshll.u32 s23, $0xF;
	p1 =	seq.s32 @!p0 s23, $0x0;
	[sflag:s26] =	ssyncadd.s32 $0xFFFFFF80  }
0x43: {  	[tilespmem:s1], [sflag:$0x8] =	stream.indirect.gather [hbm4b:s5+s25], $0x40, s0, s25, $0xb8;
	[tilespmem:$0x18C00] =	vst v63  }
0x44: {  	p1 =	por p0, !p1;
	s0 =	sadd.s32 @!p0 s16, s7  }
.Ltmp0:
0x45: {  	s0 =	sshrl.u32 @!p0 s0, $0x3;
	(pc) =	sbr.rel @!p1 .LBB2_3-.Ltmp0, $4  }
0x46: {  	s15 =	simm.s32 @!p0 $0x0;
	s1 =	sadd.s32 @!p0 s4, s0  }
0x47: {  	[tilespmem:s15], [sflag:$0x1] =	stream.linear.gather @!p0 [hbm4b:s1+s15], $0x80, $0x38;
	[tilespmem:$0x18C00] =	vst v63  }
0x48: {  	s0 =	sadd.s32 @!p0 s0, s8;
	s1 =	simm.s32 @!p0 $0x80  }
0x49: {  	[tilespmem:s1], [sflag:$0x1] =	stream.linear.gather @!p0 [hbm4b:s0+s15], $0x80, $0x38;
	[tilespmem:$0x18C00] =	vst v63  }
.Ltmp1:
0x4a: {  	(pc) =	sbr.rel .LBB2_5-.Ltmp1, $4  }
0x4b: {  	_ = 	snop  }
0x4c: {  	_ =	swait.ge [sflag:s12], $0x4000  }
0x4d: {  	[sflag:s12] =	ssyncset.done $0x0  }
0x4e: {  	p1 =	por $0x0, $0x0;
	[sflag:s12] =	ssyncadd.s32 $0xFFFFC000  }
.LBB2_3:
0x4f: {  	p1 =	por @!p0 $0x1, $0x1  }
.LBB2_5:
0x50: {  	s0 =	simm.s32 $0x0  }
0x51: {  	v4 =	vmov s0  }
0x52: {  	v4 =	vmul.u32 $0x2200, v4;
	_ =	sdelay $0x1  }
0x53: {  	s1 =	simm.s32 $0x0;
	v4 =	vbroadcast v4, $0x0  }
0x54: {  	s0 =	simm.s32 $0x440;
	v5 =	vmov s1  }
0x55: {  	v7 =	vand.u32 $0x78, v5;
	v8 =	vld [tilespmem:s0+$0xFFFFFFC0];
	v6 =	vadd.s32 v0, v4  }
0x56: {  	v5 =	vand.u32 $0x6, v5;
	v11 =	vld [tilespmem:s0+$0xFFFFFFD0];
	v9 =	vadd.s32 v1, v4;
	v10 =	vadd.s32 v7, v6  }
0x57: {  	v14 =	vld [tilespmem:s0+$0xFFFFFFE0];
	v12 =	vadd.s32 v2, v4;
	v13 =	vadd.s32 v7, v9;
	v10 =	vor.u32 v5, v10  }
0x58: {  	v16 =	vld [tilespmem:s0+$0xFFFFFFF0];
	v4 =	vadd.s32 v3, v4;
	v15 =	vadd.s32 v7, v12;
	v13 =	vor.u32 v5, v13  }
0x59: {  	v7 =	vadd.s32 v7, v4;
	v15 =	vor.u32 v5, v15  }
0x5a: {  	v5 =	vor.u32 v5, v7;
	v7 =	vmul.f32 $8.000000000e+00, v8  }
0x5b: {  	s30 =	simm.s32 $0x1;
	v8 =	vmul.f32 $8.000000000e+00, v11  }
0x5c: {  	v14 =	vmul.f32 $8.000000000e+00, v14;
	v11 =	vmov s30;
	[tilespmem:v10+s28+$0x0] =	vst.idx.msk $0xffff, v7  }
0x5d: {  	s31 =	simm.s32 $0x0;
	v7 =	vand.u32 $0x78, v11;
	v10 =	vmul.f32 $8.000000000e+00, v16;
	[tilespmem:v13+s28+$0x0] =	vst.idx.msk $0xffff, v8  }
0x5e: {  	v11 =	vand.u32 $0x7, v11;
	v8 =	vadd.s32 v7, v9;
	v9 =	vmov s31;
	[tilespmem:v15+s28+$0x0] =	vst.idx.msk $0xffff, v14  }
0x5f: {  	v6 =	vadd.s32 v7, v6;
	v12 =	vadd.s32 v7, v12;
	v63 =	vmul.u32 $0x2200, v9;
	[tilespmem:v5+s28+$0x0] =	vst.idx.msk $0xffff, v10  }
0x60: {  	v6 =	vor.u32 v11, v6;
	v5 =	vadd.s32 v7, v4;
	v4 =	vor.u32 v11, v12;
	v9 =	vld [tilespmem:s0+$0x0]  }
0x61: {  	s24 =	simm.s32 $0x2;
	s29 =	simm.s32 $0x440;
	s1 =	simm.s32 $0x4;
	v7 =	vor.u32 v11, v8;
	v5 =	vor.u32 v11, v5;
	v8 =	vbroadcast v63, $0x0;
	v10 =	vld [tilespmem:s0+$0x10]  }
.LBB2_6:
0x62: {  	s31 =	sadd.s32 $0x1, s24  }
0x63: {  	v11 =	vmov s24;
	v12 =	vld [tilespmem:s0+$0x20];
	s29 =	sadd.s32 $0x80, s29;
	s24 =	smov.u32 s1;
	s15 =	sadd.s32 $0x2, s1  }
0x64: {  	p2 =	slt.u32 s1, $0xFE;
	v13 =	vadd.s32 v0, v8;
	v14 =	vadd.s32 v1, v8;
	v15 =	vmov s31;
	v16 =	vld [tilespmem:s0+$0x30];
	s0 =	smov.u32 s29  }
0x65: {  	v17 =	vand.u32 $0x78, v11;
	v11 =	vand.u32 $0x6, v11;
	v18 =	vand.u32 $0x78, v15  }
0x66: {  	v19 =	vadd.s32 v3, v8;
	v20 =	vadd.s32 v18, v13;
	v9 =	vmul.f32 $8.000000000e+00, v9  }
0x67: {  	v13 =	vadd.s32 v17, v13;
	v21 =	vadd.s32 v18, v14;
	v10 =	vmul.f32 $8.000000000e+00, v10  }
0x68: {  	v8 =	vadd.s32 v2, v8;
	v22 =	vadd.s32 v18, v19;
	v12 =	vmul.f32 $8.000000000e+00, v12;
	[tilespmem:v6+s28+$0x0] =	vst.idx.msk $0xffff, v9  }
0x69: {  	v9 =	vor.u32 v11, v13;
	v6 =	vadd.s32 v17, v14;
	v13 =	vmul.f32 $8.000000000e+00, v16;
	[tilespmem:v7+s28+$0x0] =	vst.idx.msk $0xffff, v10  }
0x6a: {  	v10 =	vor.u32 v11, v6;
	v6 =	vadd.s32 v17, v8;
	[tilespmem:v4+s28+$0x0] =	vst.idx.msk $0xffff, v12  }
0x6b: {  	v12 =	vor.u32 v11, v6;
	v4 =	vadd.s32 v17, v19;
	[tilespmem:v5+s28+$0x0] =	vst.idx.msk $0xffff, v13  }
0x6c: {  	v11 =	vor.u32 v11, v4;
	v4 =	vadd.s32 v18, v8;
	v5 =	vld [tilespmem:s29+$0xFFFFFFC0]  }
0x6d: {  	v7 =	vld [tilespmem:s29+$0xFFFFFFD0]  }
0x6e: {  	v8 =	vld [tilespmem:s29+$0xFFFFFFE0]  }
0x6f: {  	v13 =	vld [tilespmem:s29+$0xFFFFFFF0]  }
0x70: {  	v14 =	vand.u32 $0x7, v15  }
0x71: {  	v6 =	vor.u32 v14, v20;
	v4 =	vor.u32 v14, v4;
	v5 =	vmul.f32 $8.000000000e+00, v5  }
0x72: {  	v15 =	vmul.f32 $8.000000000e+00, v7;
	v7 =	vor.u32 v14, v21  }
0x73: {  	v8 =	vmul.f32 $8.000000000e+00, v8;
	[tilespmem:v9+s28+$0x0] =	vst.idx.msk $0xffff, v5  }
.Ltmp2:
0x74: {  	s1 =	sshrl.u32 s24, $0x7;
	v5 =	vor.u32 v14, v22;
	v9 =	vmul.f32 $8.000000000e+00, v13;
	[tilespmem:v10+s28+$0x0] =	vst.idx.msk $0xffff, v15;
	(pc) =	sbr.rel @p2 .LBB2_6-.Ltmp2, $4  }
0x75: {  	v10 =	vmov s1;
	[tilespmem:v12+s28+$0x0] =	vst.idx.msk $0xffff, v8  }
0x76: {  	v8 =	vmul.u32 $0x2200, v10;
	[tilespmem:v11+s28+$0x0] =	vst.idx.msk $0xffff, v9  }
0x77: {  	v9 =	vld [tilespmem:s29+$0x0]  }
0x78: {  	s1 =	smov.u32 s15;
	v8 =	vbroadcast v8, $0x0;
	v10 =	vld [tilespmem:s29+$0x10]  }
0x79: {  	v11 =	vld [tilespmem:s0+$0x20]  }
0x7a: {  	v12 =	vld [tilespmem:s0+$0x30];
	_ =	sdelay $0x1  }
0x7b: {  	v9 =	vmul.f32 $8.000000000e+00, v9  }
0x7c: {  	v10 =	vmul.f32 $8.000000000e+00, v10  }
0x7d: {  	v11 =	vmul.f32 $8.000000000e+00, v11;
	[tilespmem:v6+s28+$0x0] =	vst.idx.msk $0xffff, v9  }
0x7e: {  	v50 =	vmul.f32 $8.000000000e+00, v12;
	[tilespmem:v7+s28+$0x0] =	vst.idx.msk $0xffff, v10  }
0x7f: {  	[tilespmem:v4+s28+$0x0] =	vst.idx.msk $0xffff, v11  }
0x80: {  	s30 =	sadd.s32 $0x80, s29;
	v4 =	vmov s24;
	[tilespmem:v5+s28+$0x0] =	vst.idx.msk $0xffff, v50  }
0x81: {  	v5 =	vadd.s32 v0, v8;
	v51 =	vand.u32 $0x78, v4;
	v7 =	vld [tilespmem:s30+$0xFFFFFFC0]  }
0x82: {  	v52 =	vadd.s32 v1, v8;
	v4 =	vand.u32 $0x6, v4;
	v53 =	vadd.s32 v51, v5;
	v11 =	vld [tilespmem:s30+$0xFFFFFFD0]  }
0x83: {  	v54 =	vadd.s32 v2, v8;
	v13 =	vadd.s32 v51, v52;
	v14 =	vld [tilespmem:s30+$0xFFFFFFE0];
	v10 =	vor.u32 v4, v53  }
0x84: {  	v55 =	vadd.s32 v3, v8;
	v15 =	vadd.s32 v51, v54;
	v16 =	vld [tilespmem:s30+$0xFFFFFFF0];
	v13 =	vor.u32 v4, v13  }
0x85: {  	v6 =	vadd.s32 v51, v55;
	v15 =	vor.u32 v4, v15  }
0x86: {  	v4 =	vor.u32 v4, v6;
	v56 =	vmul.f32 $8.000000000e+00, v7  }
0x87: {  	v57 =	vmul.f32 $8.000000000e+00, v11  }
0x88: {  	v58 =	vmul.f32 $8.000000000e+00, v14;
	[tilespmem:v10+s28+$0x0] =	vst.idx.msk $0xffff, v56  }
0x89: {  	v59 =	vmul.f32 $8.000000000e+00, v16;
	[tilespmem:v13+s28+$0x0] =	vst.idx.msk $0xffff, v57  }
0x8a: {  	s1 =	sadd.s32 $0x1, s24;
	[tilespmem:v15+s28+$0x0] =	vst.idx.msk $0xffff, v58  }
0x8b: {  	v60 =	vmov s1;
	[tilespmem:v4+s28+$0x0] =	vst.idx.msk $0xffff, v59  }
0x8c: {  	v4 =	vand.u32 $0x78, v60;
	v6 =	vld [tilespmem:s30+$0x0]  }
0x8d: {  	v7 =	vand.u32 $0x7, v60;
	v5 =	vadd.s32 v4, v5;
	v10 =	vld [tilespmem:s30+$0x10]  }
0x8e: {  	v9 =	vadd.s32 v4, v52;
	v11 =	vld [tilespmem:s30+$0x20];
	v5 =	vor.u32 v7, v5  }
0x8f: {  	v12 =	vadd.s32 v4, v54;
	v13 =	vld [tilespmem:s30+$0x30];
	v9 =	vor.u32 v7, v9  }
0x90: {  	v4 =	vadd.s32 v4, v55;
	v61 =	vor.u32 v7, v12  }
0x91: {  	v4 =	vor.u32 v7, v4;
	v6 =	vmul.f32 $8.000000000e+00, v6  }
0x92: {  	v62 =	vmul.f32 $8.000000000e+00, v10  }
0x93: {  	v63 =	vmul.f32 $8.000000000e+00, v11;
	[tilespmem:v5+s28+$0x0] =	vst.idx.msk $0xffff, v6  }
0x94: {  	s15 =	sshll.u32 s23, $0x12;
	v5 =	vmul.f32 $8.000000000e+00, v13;
	[tilespmem:v9+s28+$0x0] =	vst.idx.msk $0xffff, v62  }
0x95: {  	s0 =	sor.u32 s6, s15;
	s24 =	rddreg [dreg:$0x1];
	[tilespmem:v61+s28+$0x0] =	vst.idx.msk $0xffff, v63  }
0x96: {  	s15 =	sadd.s32 s24, s0;
	s30 =	simm.s32 $0x10400;
	[tilespmem:v4+s28+$0x0] =	vst.idx.msk $0xffff, v5  }
0x97: {  	[hbm4b:s15+s3] =	stream.linear.scatter [tilespmem:s30], [sflag:$0x9], $0x80, $0x38;
	[tilespmem:$0x18C00] =	vst v63  }
0x98: {  	s24 =	simm.s32 $0x10488;
	s30 =	sadd.s32 $0x10, s15  }
0x99: {  	[hbm4b:s30+s3] =	stream.linear.scatter [tilespmem:s24], [sflag:$0x9], $0x80, $0x38;
	[tilespmem:$0x18C00] =	vst v63  }
0x9a: {  	s24 =	simm.s32 $0x10510;
	s30 =	sadd.s32 $0x20, s15  }
0x9b: {  	[hbm4b:s30+s3] =	stream.linear.scatter [tilespmem:s24], [sflag:$0x9], $0x80, $0x38;
	[tilespmem:$0x18C00] =	vst v63  }
0x9c: {  	s24 =	simm.s32 $0x10598;
	s30 =	sadd.s32 $0x30, s15  }
0x9d: {  	[hbm4b:s30+s3] =	stream.linear.scatter [tilespmem:s24], [sflag:$0x9], $0x80, $0x38;
	[tilespmem:$0x18C00] =	vst v63  }
0x9e: {  	s24 =	simm.s32 $0x10620;
	s30 =	sadd.s32 $0x40, s15  }
0x9f: {  	[hbm4b:s30+s3] =	stream.linear.scatter [tilespmem:s24], [sflag:$0x9], $0x80, $0x38;
	[tilespmem:$0x18C00] =	vst v63  }
0xa0: {  	s29 =	simm.s32 $0x107B8;
	s24 =	simm.s32 $0x106A8;
	s30 =	sadd.s32 $0x50, s15  }
0xa1: {  	[hbm4b:s30+s3] =	stream.linear.scatter [tilespmem:s24], [sflag:$0x9], $0x80, $0x38;
	[tilespmem:$0x18C00] =	vst v63  }
0xa2: {  	s1 =	simm.s32 $0x440;
	s24 =	simm.s32 $0x10730;
	s30 =	sadd.s32 $0x60, s15  }
0xa3: {  	[hbm4b:s30+s3] =	stream.linear.scatter [tilespmem:s24], [sflag:$0x9], $0x80, $0x38;
	[tilespmem:$0x18C00] =	vst v63  }
0xa4: {  	s31 =	sadd.s32 $0x70, s15;
	s15 =	sadd.s32 $0x1000, s15;
	s24 =	simm.s32 $0x2200  }
.LBB2_8:
0xa5: {  	[hbm4b:s31+s3] =	stream.linear.scatter [tilespmem:s29], [sflag:$0x9], $0x80, $0x38;
	[tilespmem:$0x18C00] =	vst v63  }
0xa6: {  	s29 =	smov.u32 s1;
	s1 =	smov.u32 s24  }
0xa7: {  	s30 =	sadd.s32 $0x1100, s24;
	s1 =	sshra.s32 s1, $0x2;
	s31 =	sadd.s32 $0x10400, s29  }
0xa8: {  	[hbm4b:s15+s3] =	stream.linear.scatter [tilespmem:s31], [sflag:$0x9], $0x80, $0x38;
	[tilespmem:$0x18C00] =	vst v63  }
0xa9: {  	p2 =	sne.s32 s24, $0xFF00;
	s24 =	sadd.s32 $0x10488, s29;
	s31 =	sadd.s32 $0x10, s15  }
0xaa: {  	[hbm4b:s31+s3] =	stream.linear.scatter [tilespmem:s24], [sflag:$0x9], $0x80, $0x38;
	[tilespmem:$0x18C00] =	vst v63  }
0xab: {  	s24 =	sadd.s32 $0x10510, s29;
	s31 =	sadd.s32 $0x20, s15  }
0xac: {  	[hbm4b:s31+s3] =	stream.linear.scatter [tilespmem:s24], [sflag:$0x9], $0x80, $0x38;
	[tilespmem:$0x18C00] =	vst v63  }
0xad: {  	s24 =	sadd.s32 $0x10598, s29;
	s31 =	sadd.s32 $0x30, s15  }
0xae: {  	[hbm4b:s31+s3] =	stream.linear.scatter [tilespmem:s24], [sflag:$0x9], $0x80, $0x38;
	[tilespmem:$0x18C00] =	vst v63  }
0xaf: {  	s24 =	sadd.s32 $0x10620, s29;
	s31 =	sadd.s32 $0x40, s15  }
0xb0: {  	[hbm4b:s31+s3] =	stream.linear.scatter [tilespmem:s24], [sflag:$0x9], $0x80, $0x38;
	[tilespmem:$0x18C00] =	vst v63  }
.Ltmp3:
0xb1: {  	s24 =	sadd.s32 $0x106A8, s29;
	s31 =	sadd.s32 $0x50, s15;
	(pc) =	sbr.rel @p2 .LBB2_8-.Ltmp3, $4  }
0xb2: {  	[hbm4b:s31+s3] =	stream.linear.scatter [tilespmem:s24], [sflag:$0x9], $0x80, $0x38;
	[tilespmem:$0x18C00] =	vst v63  }
0xb3: {  	s24 =	sadd.s32 $0x10730, s29;
	s31 =	sadd.s32 $0x60, s15;
	s29 =	sadd.s32 $0x107B8, s29  }
0xb4: {  	[hbm4b:s31+s3] =	stream.linear.scatter [tilespmem:s24], [sflag:$0x9], $0x80, $0x38;
	[tilespmem:$0x18C00] =	vst v63  }
0xb5: {  	s31 =	sadd.s32 $0x70, s15;
	s15 =	sadd.s32 $0x1000, s15;
	s24 =	smov.u32 s30  }
0xb6: {  	[hbm4b:s31+s3] =	stream.linear.scatter [tilespmem:s29], [sflag:$0x9], $0x80, $0x38;
	[tilespmem:$0x18C00] =	vst v63  }
0xb7: {  	s24 =	sadd.s32 $0x10400, s1  }
0xb8: {  	[hbm4b:s15+s3] =	stream.linear.scatter [tilespmem:s24], [sflag:$0x9], $0x80, $0x38;
	[tilespmem:$0x18C00] =	vst v63  }
0xb9: {  	s30 =	sadd.s32 $0x10488, s1;
	s29 =	sadd.s32 $0x10, s15  }
0xba: {  	[hbm4b:s29+s3] =	stream.linear.scatter [tilespmem:s30], [sflag:$0x9], $0x80, $0x38;
	[tilespmem:$0x18C00] =	vst v63  }
0xbb: {  	s31 =	sadd.s32 $0x10510, s1;
	s29 =	sadd.s32 $0x20, s15  }
0xbc: {  	[hbm4b:s29+s3] =	stream.linear.scatter [tilespmem:s31], [sflag:$0x9], $0x80, $0x38;
	[tilespmem:$0x18C00] =	vst v63  }
0xbd: {  	s30 =	sadd.s32 $0x10598, s1;
	s29 =	sadd.s32 $0x30, s15  }
0xbe: {  	[hbm4b:s29+s3] =	stream.linear.scatter [tilespmem:s30], [sflag:$0x9], $0x80, $0x38;
	[tilespmem:$0x18C00] =	vst v63  }
0xbf: {  	s31 =	sadd.s32 $0x10620, s1;
	s29 =	sadd.s32 $0x40, s15  }
0xc0: {  	[hbm4b:s29+s3] =	stream.linear.scatter [tilespmem:s31], [sflag:$0x9], $0x80, $0x38;
	[tilespmem:$0x18C00] =	vst v63  }
0xc1: {  	s30 =	sadd.s32 $0x106A8, s1;
	s29 =	sadd.s32 $0x50, s15  }
0xc2: {  	[hbm4b:s29+s3] =	stream.linear.scatter [tilespmem:s30], [sflag:$0x9], $0x80, $0x38;
	[tilespmem:$0x18C00] =	vst v63  }
0xc3: {  	s31 =	sadd.s32 $0x10730, s1;
	s29 =	sadd.s32 $0x60, s15  }
0xc4: {  	[hbm4b:s29+s3] =	stream.linear.scatter [tilespmem:s31], [sflag:$0x9], $0x80, $0x38;
	[tilespmem:$0x18C00] =	vst v63  }
0xc5: {  	s24 =	sadd.s32 $0x107B8, s1;
	s30 =	sadd.s32 $0x70, s15  }
0xc6: {  	[hbm4b:s30+s3] =	stream.linear.scatter [tilespmem:s24], [sflag:$0x9], $0x80, $0x38;
	[tilespmem:$0x18C00] =	vst v63  }
0xc7: {  	_ =	swait.ge [sflag:s9], $0x4000  }
0xc8: {  	[sflag:s9] =	ssyncset.done $0x0  }
0xc9: {  	s1 =	simm.s32 @!p0 $0x1;
	[sflag:s9] =	ssyncadd.s32 $0xFFFFC000  }
0xca: {  	_ =	swait.ge @!p0 [sflag:s1], $0x80  }
0xcb: {  	[sflag:s1] =	ssyncset.done @!p0 $0x0  }
0xcc: {  	[sflag:s1] =	ssyncadd.s32 @!p0 $0xFFFFFF80  }
0xcd: {  	_ =	swait.ge @!p0 [sflag:s1], $0x80  }
0xce: {  	s15 =	simm.s32 @!p0 $0x0;
	[sflag:s1] =	ssyncset.done @!p0 $0x0  }
0xcf: {  	s24 =	simm.s32 @!p0 $0x400;
	[sflag:s1] =	ssyncadd.s32 @!p0 $0xFFFFFF80;
	s1 =	simm.s32 @!p0 $0x100  }
0xd0: {  	[tilespmem:s24], [sflag:$0x5] =	stream.indirect.gather @!p0 [hbm4b:s5+s1], $0x40, s15, s1, $0xb8;
	[tilespmem:$0x18C00] =	vst v63  }
0xd1: {  	s24 =	sadd.s32 @!p0 s17, s7  }
0xd2: {  	s24 =	sshrl.u32 @!p0 s24, $0x3  }
0xd3: {  	s29 =	sadd.s32 @!p0 s4, s24  }
0xd4: {  	[tilespmem:s1], [sflag:$0x2] =	stream.linear.gather @!p0 [hbm4b:s29+s15], $0x80, $0x38;
	[tilespmem:$0x18C00] =	vst v63  }
0xd5: {  	s1 =	sadd.s32 @!p0 s24, s8;
	s24 =	simm.s32 @!p0 $0x180;
	s29 =	simm.s32 $0x0  }
0xd6: {  	v4 =	vmov s29;
	[tilespmem:s24], [sflag:$0x2] =	stream.linear.gather @!p0 [hbm4b:s1+s15], $0x80, $0x38;
	[tilespmem:$0x18C00] =	vst v63  }
0xd7: {  	s1 =	simm.s32 @!p1 $0xA;
	v4 =	vmul.u32 $0x2200, v4  }
0xd8: {  	_ =	swait.ge @!p1 [sflag:s1], $0x4000  }
0xd9: {  	s31 =	simm.s32 $0x0;
	[sflag:s1] =	ssyncset.done @!p1 $0x0;
	v4 =	vbroadcast v4, $0x0  }
0xda: {  	v5 =	vmov s31;
	s24 =	simm.s32 $0x4440;
	[sflag:s1] =	ssyncadd.s32 @!p1 $0xFFFFC000  }
0xdb: {  	v7 =	vand.u32 $0x78, v5;
	v6 =	vadd.s32 v0, v4;
	v8 =	vld [tilespmem:s24+$0xFFFFFFC0]  }
0xdc: {  	v5 =	vand.u32 $0x6, v5;
	v9 =	vadd.s32 v1, v4;
	v11 =	vld [tilespmem:s24+$0xFFFFFFD0];
	v10 =	vadd.s32 v7, v6  }
0xdd: {  	v12 =	vadd.s32 v2, v4;
	v14 =	vld [tilespmem:s24+$0xFFFFFFE0];
	v13 =	vadd.s32 v7, v9;
	v10 =	vor.u32 v5, v10  }
0xde: {  	v4 =	vadd.s32 v3, v4;
	v16 =	vld [tilespmem:s24+$0xFFFFFFF0];
	v15 =	vadd.s32 v7, v12;
	v13 =	vor.u32 v5, v13  }
0xdf: {  	v7 =	vadd.s32 v7, v4;
	v15 =	vor.u32 v5, v15  }
0xe0: {  	v5 =	vor.u32 v5, v7;
	v7 =	vmul.f32 $8.000000000e+00, v8  }
0xe1: {  	s30 =	simm.s32 $0x1;
	v8 =	vmul.f32 $8.000000000e+00, v11  }
0xe2: {  	v11 =	vmov s30;
	v14 =	vmul.f32 $8.000000000e+00, v14;
	[tilespmem:v10+s10+$0x0] =	vst.idx.msk $0xffff, v7  }
0xe3: {  	s31 =	simm.s32 $0x0;
	v7 =	vand.u32 $0x78, v11;
	v10 =	vmul.f32 $8.000000000e+00, v16;
	[tilespmem:v13+s10+$0x0] =	vst.idx.msk $0xffff, v8  }
0xe4: {  	v11 =	vand.u32 $0x7, v11;
	v8 =	vadd.s32 v7, v9;
	v9 =	vmov s31;
	[tilespmem:v15+s10+$0x0] =	vst.idx.msk $0xffff, v14  }
0xe5: {  	v6 =	vadd.s32 v7, v6;
	v12 =	vadd.s32 v7, v12;
	v63 =	vmul.u32 $0x2200, v9;
	[tilespmem:v5+s10+$0x0] =	vst.idx.msk $0xffff, v10  }
0xe6: {  	v6 =	vor.u32 v11, v6;
	v5 =	vadd.s32 v7, v4;
	v4 =	vor.u32 v11, v12;
	v9 =	vld [tilespmem:s24+$0x0]  }
0xe7: {  	s29 =	simm.s32 $0x2;
	s15 =	simm.s32 $0x4440;
	s1 =	simm.s32 $0x4;
	v7 =	vor.u32 v11, v8;
	v5 =	vor.u32 v11, v5;
	v8 =	vbroadcast v63, $0x0;
	v10 =	vld [tilespmem:s24+$0x10]  }
.LBB2_10:
0xe8: {  	s30 =	sadd.s32 $0x1, s29  }
0xe9: {  	v11 =	vmov s29;
	v12 =	vld [tilespmem:s24+$0x20];
	s15 =	sadd.s32 $0x80, s15;
	s29 =	smov.u32 s1;
	s31 =	sadd.s32 $0x2, s1  }
0xea: {  	p1 =	slt.u32 s1, $0xFE;
	v13 =	vadd.s32 v0, v8;
	v14 =	vadd.s32 v1, v8;
	v15 =	vmov s30;
	v16 =	vld [tilespmem:s24+$0x30];
	s24 =	smov.u32 s15  }
0xeb: {  	v17 =	vand.u32 $0x78, v11;
	v11 =	vand.u32 $0x6, v11;
	v18 =	vand.u32 $0x78, v15  }
0xec: {  	v19 =	vadd.s32 v3, v8;
	v20 =	vadd.s32 v18, v13;
	v9 =	vmul.f32 $8.000000000e+00, v9  }
0xed: {  	v13 =	vadd.s32 v17, v13;
	v21 =	vadd.s32 v18, v14;
	v10 =	vmul.f32 $8.000000000e+00, v10  }
0xee: {  	v8 =	vadd.s32 v2, v8;
	v22 =	vadd.s32 v18, v19;
	v12 =	vmul.f32 $8.000000000e+00, v12;
	[tilespmem:v6+s10+$0x0] =	vst.idx.msk $0xffff, v9  }
0xef: {  	v9 =	vor.u32 v11, v13;
	v6 =	vadd.s32 v17, v14;
	v13 =	vmul.f32 $8.000000000e+00, v16;
	[tilespmem:v7+s10+$0x0] =	vst.idx.msk $0xffff, v10  }
0xf0: {  	v10 =	vor.u32 v11, v6;
	v6 =	vadd.s32 v17, v8;
	[tilespmem:v4+s10+$0x0] =	vst.idx.msk $0xffff, v12  }
0xf1: {  	v12 =	vor.u32 v11, v6;
	v4 =	vadd.s32 v17, v19;
	[tilespmem:v5+s10+$0x0] =	vst.idx.msk $0xffff, v13  }
0xf2: {  	v11 =	vor.u32 v11, v4;
	v4 =	vadd.s32 v18, v8;
	v5 =	vld [tilespmem:s15+$0xFFFFFFC0]  }
0xf3: {  	v7 =	vld [tilespmem:s15+$0xFFFFFFD0]  }
0xf4: {  	v8 =	vld [tilespmem:s15+$0xFFFFFFE0]  }
0xf5: {  	v13 =	vld [tilespmem:s15+$0xFFFFFFF0]  }
0xf6: {  	v14 =	vand.u32 $0x7, v15  }
0xf7: {  	v6 =	vor.u32 v14, v20;
	v4 =	vor.u32 v14, v4;
	v5 =	vmul.f32 $8.000000000e+00, v5  }
0xf8: {  	v15 =	vmul.f32 $8.000000000e+00, v7;
	v7 =	vor.u32 v14, v21  }
0xf9: {  	v8 =	vmul.f32 $8.000000000e+00, v8;
	[tilespmem:v9+s10+$0x0] =	vst.idx.msk $0xffff, v5  }
.Ltmp4:
0xfa: {  	s1 =	sshrl.u32 s29, $0x7;
	v5 =	vor.u32 v14, v22;
	v9 =	vmul.f32 $8.000000000e+00, v13;
	[tilespmem:v10+s10+$0x0] =	vst.idx.msk $0xffff, v15;
	(pc) =	sbr.rel @p1 .LBB2_10-.Ltmp4, $4  }
0xfb: {  	v10 =	vmov s1;
	[tilespmem:v12+s10+$0x0] =	vst.idx.msk $0xffff, v8  }
0xfc: {  	v8 =	vmul.u32 $0x2200, v10;
	[tilespmem:v11+s10+$0x0] =	vst.idx.msk $0xffff, v9  }
0xfd: {  	v9 =	vld [tilespmem:s15+$0x0]  }
0xfe: {  	s1 =	smov.u32 s31;
	v8 =	vbroadcast v8, $0x0;
	v10 =	vld [tilespmem:s15+$0x10]  }
0xff: {  	v11 =	vld [tilespmem:s24+$0x20]  }
0x100: {  	v12 =	vld [tilespmem:s24+$0x30];
	_ =	sdelay $0x1  }
0x101: {  	v9 =	vmul.f32 $8.000000000e+00, v9  }
0x102: {  	v10 =	vmul.f32 $8.000000000e+00, v10  }
0x103: {  	v11 =	vmul.f32 $8.000000000e+00, v11;
	[tilespmem:v6+s10+$0x0] =	vst.idx.msk $0xffff, v9  }
0x104: {  	v50 =	vmul.f32 $8.000000000e+00, v12;
	[tilespmem:v7+s10+$0x0] =	vst.idx.msk $0xffff, v10  }
0x105: {  	[tilespmem:v4+s10+$0x0] =	vst.idx.msk $0xffff, v11  }
0x106: {  	s1 =	sadd.s32 $0x80, s15;
	v4 =	vmov s29;
	[tilespmem:v5+s10+$0x0] =	vst.idx.msk $0xffff, v50  }
0x107: {  	v5 =	vadd.s32 v0, v8;
	v51 =	vand.u32 $0x78, v4;
	v7 =	vld [tilespmem:s1+$0xFFFFFFC0]  }
0x108: {  	v52 =	vadd.s32 v1, v8;
	v4 =	vand.u32 $0x6, v4;
	v53 =	vadd.s32 v51, v5;
	v11 =	vld [tilespmem:s1+$0xFFFFFFD0]  }
0x109: {  	v54 =	vadd.s32 v2, v8;
	v13 =	vadd.s32 v51, v52;
	v14 =	vld [tilespmem:s1+$0xFFFFFFE0];
	v10 =	vor.u32 v4, v53  }
0x10a: {  	v55 =	vadd.s32 v3, v8;
	v15 =	vadd.s32 v51, v54;
	v16 =	vld [tilespmem:s1+$0xFFFFFFF0];
	v13 =	vor.u32 v4, v13  }
0x10b: {  	v6 =	vadd.s32 v51, v55;
	v15 =	vor.u32 v4, v15  }
0x10c: {  	v4 =	vor.u32 v4, v6;
	v56 =	vmul.f32 $8.000000000e+00, v7  }
0x10d: {  	v57 =	vmul.f32 $8.000000000e+00, v11  }
0x10e: {  	v58 =	vmul.f32 $8.000000000e+00, v14;
	[tilespmem:v10+s10+$0x0] =	vst.idx.msk $0xffff, v56  }
0x10f: {  	v59 =	vmul.f32 $8.000000000e+00, v16;
	[tilespmem:v13+s10+$0x0] =	vst.idx.msk $0xffff, v57  }
0x110: {  	s24 =	sadd.s32 $0x1, s29;
	[tilespmem:v15+s10+$0x0] =	vst.idx.msk $0xffff, v58  }
0x111: {  	v60 =	vmov s24;
	[tilespmem:v4+s10+$0x0] =	vst.idx.msk $0xffff, v59  }
0x112: {  	v4 =	vand.u32 $0x78, v60;
	v6 =	vld [tilespmem:s1+$0x0]  }
0x113: {  	v7 =	vand.u32 $0x7, v60;
	v5 =	vadd.s32 v4, v5;
	v10 =	vld [tilespmem:s1+$0x10]  }
0x114: {  	v9 =	vadd.s32 v4, v52;
	v11 =	vld [tilespmem:s1+$0x20];
	v5 =	vor.u32 v7, v5  }
0x115: {  	v12 =	vadd.s32 v4, v54;
	v13 =	vld [tilespmem:s1+$0x30];
	v9 =	vor.u32 v7, v9  }
0x116: {  	v4 =	vadd.s32 v4, v55;
	v61 =	vor.u32 v7, v12  }
0x117: {  	v4 =	vor.u32 v7, v4;
	v6 =	vmul.f32 $8.000000000e+00, v6  }
0x118: {  	v62 =	vmul.f32 $8.000000000e+00, v10  }
0x119: {  	v63 =	vmul.f32 $8.000000000e+00, v11;
	[tilespmem:v5+s10+$0x0] =	vst.idx.msk $0xffff, v6  }
0x11a: {  	v5 =	vmul.f32 $8.000000000e+00, v13;
	[tilespmem:v9+s10+$0x0] =	vst.idx.msk $0xffff, v62  }
0x11b: {  	[tilespmem:v61+s10+$0x0] =	vst.idx.msk $0xffff, v63  }
0x11c: {  	s15 =	sadd.s32 s0, s20;
	s30 =	simm.s32 $0x14800;
	[tilespmem:v4+s10+$0x0] =	vst.idx.msk $0xffff, v5  }
0x11d: {  	[hbm4b:s15+s3] =	stream.linear.scatter [tilespmem:s30], [sflag:$0xA], $0x80, $0x38;
	[tilespmem:$0x18C00] =	vst v63  }
0x11e: {  	s24 =	simm.s32 $0x14888;
	s30 =	sadd.s32 $0x10, s15  }
0x11f: {  	[hbm4b:s30+s3] =	stream.linear.scatter [tilespmem:s24], [sflag:$0xA], $0x80, $0x38;
	[tilespmem:$0x18C00] =	vst v63  }
0x120: {  	s24 =	simm.s32 $0x14910;
	s30 =	sadd.s32 $0x20, s15  }
0x121: {  	[hbm4b:s30+s3] =	stream.linear.scatter [tilespmem:s24], [sflag:$0xA], $0x80, $0x38;
	[tilespmem:$0x18C00] =	vst v63  }
0x122: {  	s24 =	simm.s32 $0x14998;
	s30 =	sadd.s32 $0x30, s15  }
0x123: {  	[hbm4b:s30+s3] =	stream.linear.scatter [tilespmem:s24], [sflag:$0xA], $0x80, $0x38;
	[tilespmem:$0x18C00] =	vst v63  }
0x124: {  	s24 =	simm.s32 $0x14A20;
	s30 =	sadd.s32 $0x40, s15  }
0x125: {  	[hbm4b:s30+s3] =	stream.linear.scatter [tilespmem:s24], [sflag:$0xA], $0x80, $0x38;
	[tilespmem:$0x18C00] =	vst v63  }
0x126: {  	s31 =	sadd.s32 $0x70, s15;
	s24 =	simm.s32 $0x14AA8;
	s30 =	sadd.s32 $0x50, s15  }
0x127: {  	[hbm4b:s30+s3] =	stream.linear.scatter [tilespmem:s24], [sflag:$0xA], $0x80, $0x38;
	[tilespmem:$0x18C00] =	vst v63  }
0x128: {  	s29 =	simm.s32 $0x14BB8;
	s24 =	simm.s32 $0x14B30;
	s30 =	sadd.s32 $0x60, s15  }
0x129: {  	[hbm4b:s30+s3] =	stream.linear.scatter [tilespmem:s24], [sflag:$0xA], $0x80, $0x38;
	[tilespmem:$0x18C00] =	vst v63  }
0x12a: {  	s1 =	simm.s32 $0x440;
	s15 =	sadd.s32 $0x1000, s15;
	s24 =	simm.s32 $0x2200  }
.LBB2_12:
0x12b: {  	[hbm4b:s31+s3] =	stream.linear.scatter [tilespmem:s29], [sflag:$0xA], $0x80, $0x38;
	[tilespmem:$0x18C00] =	vst v63  }
0x12c: {  	s29 =	smov.u32 s1;
	s1 =	smov.u32 s24  }
0x12d: {  	s30 =	sadd.s32 $0x1100, s24;
	s1 =	sshra.s32 s1, $0x2;
	s31 =	sadd.s32 $0x14800, s29  }
0x12e: {  	[hbm4b:s15+s3] =	stream.linear.scatter [tilespmem:s31], [sflag:$0xA], $0x80, $0x38;
	[tilespmem:$0x18C00] =	vst v63  }
0x12f: {  	p1 =	sne.s32 s24, $0xFF00;
	s24 =	sadd.s32 $0x14888, s29;
	s31 =	sadd.s32 $0x10, s15  }
0x130: {  	[hbm4b:s31+s3] =	stream.linear.scatter [tilespmem:s24], [sflag:$0xA], $0x80, $0x38;
	[tilespmem:$0x18C00] =	vst v63  }
0x131: {  	s24 =	sadd.s32 $0x14910, s29;
	s31 =	sadd.s32 $0x20, s15  }
0x132: {  	[hbm4b:s31+s3] =	stream.linear.scatter [tilespmem:s24], [sflag:$0xA], $0x80, $0x38;
	[tilespmem:$0x18C00] =	vst v63  }
0x133: {  	s24 =	sadd.s32 $0x14998, s29;
	s31 =	sadd.s32 $0x30, s15  }
0x134: {  	[hbm4b:s31+s3] =	stream.linear.scatter [tilespmem:s24], [sflag:$0xA], $0x80, $0x38;
	[tilespmem:$0x18C00] =	vst v63  }
0x135: {  	s24 =	sadd.s32 $0x14A20, s29;
	s31 =	sadd.s32 $0x40, s15  }
0x136: {  	[hbm4b:s31+s3] =	stream.linear.scatter [tilespmem:s24], [sflag:$0xA], $0x80, $0x38;
	[tilespmem:$0x18C00] =	vst v63  }
.Ltmp5:
0x137: {  	s24 =	sadd.s32 $0x14AA8, s29;
	s31 =	sadd.s32 $0x50, s15;
	(pc) =	sbr.rel @p1 .LBB2_12-.Ltmp5, $4  }
0x138: {  	[hbm4b:s31+s3] =	stream.linear.scatter [tilespmem:s24], [sflag:$0xA], $0x80, $0x38;
	[tilespmem:$0x18C00] =	vst v63  }
0x139: {  	s24 =	sadd.s32 $0x14B30, s29;
	s31 =	sadd.s32 $0x60, s15;
	s29 =	sadd.s32 $0x14BB8, s29  }
0x13a: {  	[hbm4b:s31+s3] =	stream.linear.scatter [tilespmem:s24], [sflag:$0xA], $0x80, $0x38;
	[tilespmem:$0x18C00] =	vst v63  }
0x13b: {  	s31 =	sadd.s32 $0x70, s15;
	s15 =	sadd.s32 $0x1000, s15;
	s24 =	smov.u32 s30  }
0x13c: {  	[hbm4b:s31+s3] =	stream.linear.scatter [tilespmem:s29], [sflag:$0xA], $0x80, $0x38;
	[tilespmem:$0x18C00] =	vst v63  }
0x13d: {  	s24 =	sadd.s32 $0x14800, s1  }
0x13e: {  	[hbm4b:s15+s3] =	stream.linear.scatter [tilespmem:s24], [sflag:$0xA], $0x80, $0x38;
	[tilespmem:$0x18C00] =	vst v63  }
0x13f: {  	s30 =	sadd.s32 $0x14888, s1;
	s29 =	sadd.s32 $0x10, s15  }
0x140: {  	[hbm4b:s29+s3] =	stream.linear.scatter [tilespmem:s30], [sflag:$0xA], $0x80, $0x38;
	[tilespmem:$0x18C00] =	vst v63  }
0x141: {  	s30 =	sadd.s32 $0x14910, s1;
	s29 =	sadd.s32 $0x20, s15  }
0x142: {  	[hbm4b:s29+s3] =	stream.linear.scatter [tilespmem:s30], [sflag:$0xA], $0x80, $0x38;
	[tilespmem:$0x18C00] =	vst v63  }
0x143: {  	s30 =	sadd.s32 $0x14998, s1;
	s29 =	sadd.s32 $0x30, s15  }
0x144: {  	[hbm4b:s29+s3] =	stream.linear.scatter [tilespmem:s30], [sflag:$0xA], $0x80, $0x38;
	[tilespmem:$0x18C00] =	vst v63  }
0x145: {  	s30 =	sadd.s32 $0x14A20, s1;
	s29 =	sadd.s32 $0x40, s15  }
0x146: {  	[hbm4b:s29+s3] =	stream.linear.scatter [tilespmem:s30], [sflag:$0xA], $0x80, $0x38;
	[tilespmem:$0x18C00] =	vst v63  }
0x147: {  	s30 =	sadd.s32 $0x14AA8, s1;
	s29 =	sadd.s32 $0x50, s15  }
0x148: {  	[hbm4b:s29+s3] =	stream.linear.scatter [tilespmem:s30], [sflag:$0xA], $0x80, $0x38;
	[tilespmem:$0x18C00] =	vst v63  }
0x149: {  	s30 =	sadd.s32 $0x14B30, s1;
	s29 =	sadd.s32 $0x60, s15  }
0x14a: {  	[hbm4b:s29+s3] =	stream.linear.scatter [tilespmem:s30], [sflag:$0xA], $0x80, $0x38;
	[tilespmem:$0x18C00] =	vst v63  }
0x14b: {  	s24 =	sadd.s32 $0x70, s15;
	s30 =	sadd.s32 $0x14BB8, s1  }
0x14c: {  	[hbm4b:s24+s3] =	stream.linear.scatter [tilespmem:s30], [sflag:$0xA], $0x80, $0x38;
	[tilespmem:$0x18C00] =	vst v63  }
0x14d: {  	_ =	swait.ge [sflag:s11], $0x4000  }
0x14e: {  	[sflag:s11] =	ssyncset.done $0x0  }
0x14f: {  	s1 =	simm.s32 @!p0 $0x2;
	[sflag:s11] =	ssyncadd.s32 $0xFFFFC000  }
0x150: {  	_ =	swait.ge @!p0 [sflag:s1], $0x80  }
0x151: {  	[sflag:s1] =	ssyncset.done @!p0 $0x0  }
0x152: {  	[sflag:s1] =	ssyncadd.s32 @!p0 $0xFFFFFF80  }
0x153: {  	_ =	swait.ge @!p0 [sflag:s1], $0x80  }
0x154: {  	[sflag:s1] =	ssyncset.done @!p0 $0x0  }
0x155: {  	s15 =	simm.s32 @!p0 $0x4400;
	[sflag:s1] =	ssyncadd.s32 @!p0 $0xFFFFFF80;
	s1 =	simm.s32 @!p0 $0x100  }
0x156: {  	[tilespmem:s15], [sflag:$0x6] =	stream.indirect.gather @!p0 [hbm4b:s5+s1], $0x40, s1, s1, $0xb8;
	[tilespmem:$0x18C00] =	vst v63  }
0x157: {  	s1 =	sadd.s32 @!p0 s18, s7  }
0x158: {  	s29 =	simm.s32 @!p0 $0x200;
	s1 =	sshrl.u32 @!p0 s1, $0x3  }
0x159: {  	s24 =	simm.s32 @!p0 $0x0;
	s30 =	simm.s32 $0x0;
	s15 =	sadd.s32 @!p0 s4, s1  }
0x15a: {  	[tilespmem:s29], [sflag:$0x3] =	stream.linear.gather @!p0 [hbm4b:s15+s24], $0x80, $0x38;
	[tilespmem:$0x18C00] =	vst v63  }
0x15b: {  	v4 =	vmov s30;
	s1 =	sadd.s32 @!p0 s1, s8;
	s29 =	simm.s32 @!p0 $0x280  }
0x15c: {  	v4 =	vmul.u32 $0x2200, v4;
	[tilespmem:s29], [sflag:$0x3] =	stream.linear.gather @!p0 [hbm4b:s1+s24], $0x80, $0x38;
	[tilespmem:$0x18C00] =	vst v63  }
0x15d: {  	_ =	swait.ge [sflag:s12], $0x4000  }
0x15e: {  	s30 =	simm.s32 $0x0;
	v4 =	vbroadcast v4, $0x0;
	[sflag:s12] =	ssyncset.done $0x0  }
0x15f: {  	v5 =	vmov s30;
	s24 =	simm.s32 $0x8440;
	[sflag:s12] =	ssyncadd.s32 $0xFFFFC000  }
0x160: {  	v7 =	vand.u32 $0x78, v5;
	v6 =	vadd.s32 v0, v4;
	v8 =	vld [tilespmem:s24+$0xFFFFFFC0]  }
0x161: {  	v5 =	vand.u32 $0x6, v5;
	v9 =	vadd.s32 v1, v4;
	v10 =	vadd.s32 v7, v6;
	v11 =	vld [tilespmem:s24+$0xFFFFFFD0]  }
0x162: {  	v12 =	vadd.s32 v2, v4;
	v13 =	vadd.s32 v7, v9;
	v10 =	vor.u32 v5, v10;
	v14 =	vld [tilespmem:s24+$0xFFFFFFE0]  }
0x163: {  	v4 =	vadd.s32 v3, v4;
	v15 =	vadd.s32 v7, v12;
	v13 =	vor.u32 v5, v13;
	v16 =	vld [tilespmem:s24+$0xFFFFFFF0]  }
0x164: {  	v7 =	vadd.s32 v7, v4;
	v15 =	vor.u32 v5, v15  }
0x165: {  	v5 =	vor.u32 v5, v7;
	v7 =	vmul.f32 $8.000000000e+00, v8  }
0x166: {  	s15 =	simm.s32 $0x1;
	v8 =	vmul.f32 $8.000000000e+00, v11  }
0x167: {  	v11 =	vmov s15;
	v14 =	vmul.f32 $8.000000000e+00, v14;
	[tilespmem:v10+s28+$0x0] =	vst.idx.msk $0xffff, v7  }
0x168: {  	s30 =	simm.s32 $0x0;
	v7 =	vand.u32 $0x78, v11;
	v10 =	vmul.f32 $8.000000000e+00, v16;
	[tilespmem:v13+s28+$0x0] =	vst.idx.msk $0xffff, v8  }
0x169: {  	v11 =	vand.u32 $0x7, v11;
	v8 =	vadd.s32 v7, v9;
	v9 =	vmov s30;
	[tilespmem:v15+s28+$0x0] =	vst.idx.msk $0xffff, v14  }
0x16a: {  	v6 =	vadd.s32 v7, v6;
	v12 =	vadd.s32 v7, v12;
	v63 =	vmul.u32 $0x2200, v9;
	[tilespmem:v5+s28+$0x0] =	vst.idx.msk $0xffff, v10  }
0x16b: {  	v6 =	vor.u32 v11, v6;
	v5 =	vadd.s32 v7, v4;
	v4 =	vor.u32 v11, v12;
	v9 =	vld [tilespmem:s24+$0x0]  }
0x16c: {  	s31 =	simm.s32 $0x4;
	s29 =	simm.s32 $0x2;
	s15 =	simm.s32 $0x8440;
	v7 =	vor.u32 v11, v8;
	v5 =	vor.u32 v11, v5;
	v8 =	vbroadcast v63, $0x0;
	v10 =	vld [tilespmem:s24+$0x10]  }
.LBB2_14:
0x16d: {  	s30 =	sadd.s32 $0x1, s29  }
0x16e: {  	v11 =	vmov s29;
	v12 =	vld [tilespmem:s24+$0x20];
	s15 =	sadd.s32 $0x80, s15;
	s29 =	smov.u32 s31;
	s1 =	sadd.s32 $0x2, s31  }
0x16f: {  	p1 =	slt.u32 s31, $0xFE;
	v13 =	vadd.s32 v0, v8;
	v14 =	vadd.s32 v1, v8;
	v15 =	vmov s30;
	v16 =	vld [tilespmem:s24+$0x30];
	s24 =	smov.u32 s15  }
0x170: {  	v17 =	vand.u32 $0x78, v11;
	v11 =	vand.u32 $0x6, v11;
	v18 =	vand.u32 $0x78, v15  }
0x171: {  	v19 =	vadd.s32 v3, v8;
	v20 =	vadd.s32 v18, v13;
	v9 =	vmul.f32 $8.000000000e+00, v9  }
0x172: {  	v13 =	vadd.s32 v17, v13;
	v21 =	vadd.s32 v18, v14;
	v10 =	vmul.f32 $8.000000000e+00, v10  }
0x173: {  	v8 =	vadd.s32 v2, v8;
	v22 =	vadd.s32 v18, v19;
	v12 =	vmul.f32 $8.000000000e+00, v12;
	[tilespmem:v6+s28+$0x0] =	vst.idx.msk $0xffff, v9  }
0x174: {  	v9 =	vor.u32 v11, v13;
	v6 =	vadd.s32 v17, v14;
	v13 =	vmul.f32 $8.000000000e+00, v16;
	[tilespmem:v7+s28+$0x0] =	vst.idx.msk $0xffff, v10  }
0x175: {  	v10 =	vor.u32 v11, v6;
	v6 =	vadd.s32 v17, v8;
	[tilespmem:v4+s28+$0x0] =	vst.idx.msk $0xffff, v12  }
0x176: {  	v12 =	vor.u32 v11, v6;
	v4 =	vadd.s32 v17, v19;
	[tilespmem:v5+s28+$0x0] =	vst.idx.msk $0xffff, v13  }
0x177: {  	v11 =	vor.u32 v11, v4;
	v4 =	vadd.s32 v18, v8;
	v5 =	vld [tilespmem:s15+$0xFFFFFFC0]  }
0x178: {  	v7 =	vld [tilespmem:s15+$0xFFFFFFD0]  }
0x179: {  	v8 =	vld [tilespmem:s15+$0xFFFFFFE0]  }
0x17a: {  	v13 =	vld [tilespmem:s15+$0xFFFFFFF0]  }
0x17b: {  	v14 =	vand.u32 $0x7, v15  }
0x17c: {  	v6 =	vor.u32 v14, v20;
	v4 =	vor.u32 v14, v4;
	v5 =	vmul.f32 $8.000000000e+00, v5  }
0x17d: {  	v15 =	vmul.f32 $8.000000000e+00, v7;
	v7 =	vor.u32 v14, v21  }
0x17e: {  	v8 =	vmul.f32 $8.000000000e+00, v8;
	[tilespmem:v9+s28+$0x0] =	vst.idx.msk $0xffff, v5  }
.Ltmp6:
0x17f: {  	s30 =	sshrl.u32 s29, $0x7;
	v5 =	vor.u32 v14, v22;
	v9 =	vmul.f32 $8.000000000e+00, v13;
	[tilespmem:v10+s28+$0x0] =	vst.idx.msk $0xffff, v15;
	(pc) =	sbr.rel @p1 .LBB2_14-.Ltmp6, $4  }
0x180: {  	v10 =	vmov s30;
	[tilespmem:v12+s28+$0x0] =	vst.idx.msk $0xffff, v8  }
0x181: {  	v8 =	vmul.u32 $0x2200, v10;
	[tilespmem:v11+s28+$0x0] =	vst.idx.msk $0xffff, v9  }
0x182: {  	v9 =	vld [tilespmem:s15+$0x0]  }
0x183: {  	s31 =	smov.u32 s1;
	v8 =	vbroadcast v8, $0x0;
	v10 =	vld [tilespmem:s15+$0x10]  }
0x184: {  	v11 =	vld [tilespmem:s24+$0x20]  }
0x185: {  	v12 =	vld [tilespmem:s24+$0x30];
	_ =	sdelay $0x1  }
0x186: {  	v9 =	vmul.f32 $8.000000000e+00, v9  }
0x187: {  	v10 =	vmul.f32 $8.000000000e+00, v10  }
0x188: {  	v11 =	vmul.f32 $8.000000000e+00, v11;
	[tilespmem:v6+s28+$0x0] =	vst.idx.msk $0xffff, v9  }
0x189: {  	v50 =	vmul.f32 $8.000000000e+00, v12;
	[tilespmem:v7+s28+$0x0] =	vst.idx.msk $0xffff, v10  }
0x18a: {  	[tilespmem:v4+s28+$0x0] =	vst.idx.msk $0xffff, v11  }
0x18b: {  	s1 =	sadd.s32 $0x80, s15;
	v4 =	vmov s29;
	[tilespmem:v5+s28+$0x0] =	vst.idx.msk $0xffff, v50  }
0x18c: {  	v5 =	vadd.s32 v0, v8;
	v51 =	vand.u32 $0x78, v4;
	v7 =	vld [tilespmem:s1+$0xFFFFFFC0]  }
0x18d: {  	v52 =	vadd.s32 v1, v8;
	v4 =	vand.u32 $0x6, v4;
	v53 =	vadd.s32 v51, v5;
	v11 =	vld [tilespmem:s1+$0xFFFFFFD0]  }
0x18e: {  	v54 =	vadd.s32 v2, v8;
	v13 =	vadd.s32 v51, v52;
	v14 =	vld [tilespmem:s1+$0xFFFFFFE0];
	v10 =	vor.u32 v4, v53  }
0x18f: {  	v55 =	vadd.s32 v3, v8;
	v15 =	vadd.s32 v51, v54;
	v16 =	vld [tilespmem:s1+$0xFFFFFFF0];
	v13 =	vor.u32 v4, v13  }
0x190: {  	v6 =	vadd.s32 v51, v55;
	v15 =	vor.u32 v4, v15  }
0x191: {  	v4 =	vor.u32 v4, v6;
	v56 =	vmul.f32 $8.000000000e+00, v7  }
0x192: {  	v57 =	vmul.f32 $8.000000000e+00, v11  }
0x193: {  	v58 =	vmul.f32 $8.000000000e+00, v14;
	[tilespmem:v10+s28+$0x0] =	vst.idx.msk $0xffff, v56  }
0x194: {  	v59 =	vmul.f32 $8.000000000e+00, v16;
	[tilespmem:v13+s28+$0x0] =	vst.idx.msk $0xffff, v57  }
0x195: {  	s24 =	sadd.s32 $0x1, s29;
	[tilespmem:v15+s28+$0x0] =	vst.idx.msk $0xffff, v58  }
0x196: {  	v60 =	vmov s24;
	[tilespmem:v4+s28+$0x0] =	vst.idx.msk $0xffff, v59  }
0x197: {  	v4 =	vand.u32 $0x78, v60;
	v6 =	vld [tilespmem:s1+$0x0]  }
0x198: {  	v7 =	vand.u32 $0x7, v60;
	v5 =	vadd.s32 v4, v5;
	v10 =	vld [tilespmem:s1+$0x10]  }
0x199: {  	v9 =	vadd.s32 v4, v52;
	v11 =	vld [tilespmem:s1+$0x20];
	v5 =	vor.u32 v7, v5  }
0x19a: {  	v12 =	vadd.s32 v4, v54;
	v13 =	vld [tilespmem:s1+$0x30];
	v9 =	vor.u32 v7, v9  }
0x19b: {  	v4 =	vadd.s32 v4, v55;
	v61 =	vor.u32 v7, v12  }
0x19c: {  	v4 =	vor.u32 v7, v4;
	v6 =	vmul.f32 $8.000000000e+00, v6  }
0x19d: {  	v62 =	vmul.f32 $8.000000000e+00, v10  }
0x19e: {  	v63 =	vmul.f32 $8.000000000e+00, v11;
	[tilespmem:v5+s28+$0x0] =	vst.idx.msk $0xffff, v6  }
0x19f: {  	v5 =	vmul.f32 $8.000000000e+00, v13;
	[tilespmem:v9+s28+$0x0] =	vst.idx.msk $0xffff, v62  }
0x1a0: {  	[tilespmem:v61+s28+$0x0] =	vst.idx.msk $0xffff, v63  }
0x1a1: {  	s15 =	sadd.s32 s0, s21;
	s30 =	simm.s32 $0x10400;
	[tilespmem:v4+s28+$0x0] =	vst.idx.msk $0xffff, v5  }
0x1a2: {  	[hbm4b:s15+s3] =	stream.linear.scatter [tilespmem:s30], [sflag:$0x9], $0x80, $0x38;
	[tilespmem:$0x18C00] =	vst v63  }
0x1a3: {  	s24 =	simm.s32 $0x10488;
	s30 =	sadd.s32 $0x10, s15  }
0x1a4: {  	[hbm4b:s30+s3] =	stream.linear.scatter [tilespmem:s24], [sflag:$0x9], $0x80, $0x38;
	[tilespmem:$0x18C00] =	vst v63  }
0x1a5: {  	s24 =	simm.s32 $0x10510;
	s30 =	sadd.s32 $0x20, s15  }
0x1a6: {  	[hbm4b:s30+s3] =	stream.linear.scatter [tilespmem:s24], [sflag:$0x9], $0x80, $0x38;
	[tilespmem:$0x18C00] =	vst v63  }
0x1a7: {  	s24 =	simm.s32 $0x10598;
	s30 =	sadd.s32 $0x30, s15  }
0x1a8: {  	[hbm4b:s30+s3] =	stream.linear.scatter [tilespmem:s24], [sflag:$0x9], $0x80, $0x38;
	[tilespmem:$0x18C00] =	vst v63  }
0x1a9: {  	s24 =	simm.s32 $0x10620;
	s30 =	sadd.s32 $0x40, s15  }
0x1aa: {  	[hbm4b:s30+s3] =	stream.linear.scatter [tilespmem:s24], [sflag:$0x9], $0x80, $0x38;
	[tilespmem:$0x18C00] =	vst v63  }
0x1ab: {  	s31 =	sadd.s32 $0x70, s15;
	s24 =	simm.s32 $0x106A8;
	s30 =	sadd.s32 $0x50, s15  }
0x1ac: {  	[hbm4b:s30+s3] =	stream.linear.scatter [tilespmem:s24], [sflag:$0x9], $0x80, $0x38;
	[tilespmem:$0x18C00] =	vst v63  }
0x1ad: {  	s29 =	simm.s32 $0x107B8;
	s24 =	simm.s32 $0x10730;
	s30 =	sadd.s32 $0x60, s15  }
0x1ae: {  	[hbm4b:s30+s3] =	stream.linear.scatter [tilespmem:s24], [sflag:$0x9], $0x80, $0x38;
	[tilespmem:$0x18C00] =	vst v63  }
0x1af: {  	s1 =	simm.s32 $0x440;
	s15 =	sadd.s32 $0x1000, s15;
	s24 =	simm.s32 $0x2200  }
.LBB2_16:
0x1b0: {  	[hbm4b:s31+s3] =	stream.linear.scatter [tilespmem:s29], [sflag:$0x9], $0x80, $0x38;
	[tilespmem:$0x18C00] =	vst v63  }
0x1b1: {  	s29 =	smov.u32 s1;
	s1 =	smov.u32 s24  }
0x1b2: {  	s30 =	sadd.s32 $0x1100, s24;
	s1 =	sshra.s32 s1, $0x2;
	s31 =	sadd.s32 $0x10400, s29  }
0x1b3: {  	[hbm4b:s15+s3] =	stream.linear.scatter [tilespmem:s31], [sflag:$0x9], $0x80, $0x38;
	[tilespmem:$0x18C00] =	vst v63  }
0x1b4: {  	p1 =	sne.s32 s24, $0xFF00;
	s24 =	sadd.s32 $0x10488, s29;
	s31 =	sadd.s32 $0x10, s15  }
0x1b5: {  	[hbm4b:s31+s3] =	stream.linear.scatter [tilespmem:s24], [sflag:$0x9], $0x80, $0x38;
	[tilespmem:$0x18C00] =	vst v63  }
0x1b6: {  	s24 =	sadd.s32 $0x10510, s29;
	s31 =	sadd.s32 $0x20, s15  }
0x1b7: {  	[hbm4b:s31+s3] =	stream.linear.scatter [tilespmem:s24], [sflag:$0x9], $0x80, $0x38;
	[tilespmem:$0x18C00] =	vst v63  }
0x1b8: {  	s24 =	sadd.s32 $0x10598, s29;
	s31 =	sadd.s32 $0x30, s15  }
0x1b9: {  	[hbm4b:s31+s3] =	stream.linear.scatter [tilespmem:s24], [sflag:$0x9], $0x80, $0x38;
	[tilespmem:$0x18C00] =	vst v63  }
0x1ba: {  	s24 =	sadd.s32 $0x10620, s29;
	s31 =	sadd.s32 $0x40, s15  }
0x1bb: {  	[hbm4b:s31+s3] =	stream.linear.scatter [tilespmem:s24], [sflag:$0x9], $0x80, $0x38;
	[tilespmem:$0x18C00] =	vst v63  }
.Ltmp7:
0x1bc: {  	s24 =	sadd.s32 $0x106A8, s29;
	s31 =	sadd.s32 $0x50, s15;
	(pc) =	sbr.rel @p1 .LBB2_16-.Ltmp7, $4  }
0x1bd: {  	[hbm4b:s31+s3] =	stream.linear.scatter [tilespmem:s24], [sflag:$0x9], $0x80, $0x38;
	[tilespmem:$0x18C00] =	vst v63  }
0x1be: {  	s24 =	sadd.s32 $0x10730, s29;
	s31 =	sadd.s32 $0x60, s15;
	s29 =	sadd.s32 $0x107B8, s29  }
0x1bf: {  	[hbm4b:s31+s3] =	stream.linear.scatter [tilespmem:s24], [sflag:$0x9], $0x80, $0x38;
	[tilespmem:$0x18C00] =	vst v63  }
0x1c0: {  	s31 =	sadd.s32 $0x70, s15;
	s15 =	sadd.s32 $0x1000, s15;
	s24 =	smov.u32 s30  }
0x1c1: {  	[hbm4b:s31+s3] =	stream.linear.scatter [tilespmem:s29], [sflag:$0x9], $0x80, $0x38;
	[tilespmem:$0x18C00] =	vst v63  }
0x1c2: {  	s24 =	sadd.s32 $0x10400, s1  }
0x1c3: {  	[hbm4b:s15+s3] =	stream.linear.scatter [tilespmem:s24], [sflag:$0x9], $0x80, $0x38;
	[tilespmem:$0x18C00] =	vst v63  }
0x1c4: {  	s30 =	sadd.s32 $0x10488, s1;
	s29 =	sadd.s32 $0x10, s15  }
0x1c5: {  	[hbm4b:s29+s3] =	stream.linear.scatter [tilespmem:s30], [sflag:$0x9], $0x80, $0x38;
	[tilespmem:$0x18C00] =	vst v63  }
0x1c6: {  	s31 =	sadd.s32 $0x10510, s1;
	s29 =	sadd.s32 $0x20, s15  }
0x1c7: {  	[hbm4b:s29+s3] =	stream.linear.scatter [tilespmem:s31], [sflag:$0x9], $0x80, $0x38;
	[tilespmem:$0x18C00] =	vst v63  }
0x1c8: {  	s30 =	sadd.s32 $0x10598, s1;
	s29 =	sadd.s32 $0x30, s15  }
0x1c9: {  	[hbm4b:s29+s3] =	stream.linear.scatter [tilespmem:s30], [sflag:$0x9], $0x80, $0x38;
	[tilespmem:$0x18C00] =	vst v63  }
0x1ca: {  	s31 =	sadd.s32 $0x10620, s1;
	s29 =	sadd.s32 $0x40, s15  }
0x1cb: {  	[hbm4b:s29+s3] =	stream.linear.scatter [tilespmem:s31], [sflag:$0x9], $0x80, $0x38;
	[tilespmem:$0x18C00] =	vst v63  }
0x1cc: {  	s30 =	sadd.s32 $0x106A8, s1;
	s29 =	sadd.s32 $0x50, s15  }
0x1cd: {  	[hbm4b:s29+s3] =	stream.linear.scatter [tilespmem:s30], [sflag:$0x9], $0x80, $0x38;
	[tilespmem:$0x18C00] =	vst v63  }
0x1ce: {  	s31 =	sadd.s32 $0x10730, s1;
	s29 =	sadd.s32 $0x60, s15  }
0x1cf: {  	[hbm4b:s29+s3] =	stream.linear.scatter [tilespmem:s31], [sflag:$0x9], $0x80, $0x38;
	[tilespmem:$0x18C00] =	vst v63  }
0x1d0: {  	s24 =	sadd.s32 $0x107B8, s1;
	s30 =	sadd.s32 $0x70, s15  }
0x1d1: {  	[hbm4b:s30+s3] =	stream.linear.scatter [tilespmem:s24], [sflag:$0x9], $0x80, $0x38;
	[tilespmem:$0x18C00] =	vst v63  }
0x1d2: {  	_ =	swait.ge [sflag:s13], $0x4000  }
0x1d3: {  	[sflag:s13] =	ssyncset.done $0x0  }
0x1d4: {  	s1 =	simm.s32 @!p0 $0x3;
	[sflag:s13] =	ssyncadd.s32 $0xFFFFC000  }
0x1d5: {  	_ =	swait.ge @!p0 [sflag:s1], $0x80  }
0x1d6: {  	[sflag:s1] =	ssyncset.done @!p0 $0x0  }
0x1d7: {  	[sflag:s1] =	ssyncadd.s32 @!p0 $0xFFFFFF80  }
0x1d8: {  	_ =	swait.ge @!p0 [sflag:s1], $0x80  }
0x1d9: {  	s15 =	simm.s32 @!p0 $0x200;
	[sflag:s1] =	ssyncset.done @!p0 $0x0  }
0x1da: {  	s24 =	simm.s32 @!p0 $0x8400;
	[sflag:s1] =	ssyncadd.s32 @!p0 $0xFFFFFF80;
	s1 =	simm.s32 @!p0 $0x100  }
0x1db: {  	[tilespmem:s24], [sflag:$0x7] =	stream.indirect.gather @!p0 [hbm4b:s5+s1], $0x40, s15, s1, $0xb8;
	[tilespmem:$0x18C00] =	vst v63  }
0x1dc: {  	s1 =	sadd.s32 @!p0 s19, s7  }
0x1dd: {  	s31 =	simm.s32 $0x0;
	s1 =	sshrl.u32 @!p0 s1, $0x3  }
0x1de: {  	s15 =	simm.s32 @!p0 $0x0;
	s24 =	simm.s32 @!p0 $0x300;
	s7 =	sadd.s32 @!p0 s4, s1  }
0x1df: {  	[tilespmem:s24], [sflag:$0x4] =	stream.linear.gather @!p0 [hbm4b:s7+s15], $0x80, $0x38;
	[tilespmem:$0x18C00] =	vst v63  }
0x1e0: {  	v4 =	vmov s31;
	s1 =	sadd.s32 @!p0 s1, s8;
	s24 =	simm.s32 @!p0 $0x380  }
0x1e1: {  	v4 =	vmul.u32 $0x2200, v4;
	[tilespmem:s24], [sflag:$0x4] =	stream.linear.gather @!p0 [hbm4b:s1+s15], $0x80, $0x38;
	[tilespmem:$0x18C00] =	vst v63  }
0x1e2: {  	_ =	swait.ge [sflag:s14], $0x4000  }
0x1e3: {  	v4 =	vbroadcast v4, $0x0;
	s24 =	simm.s32 $0x0;
	[sflag:s14] =	ssyncset.done $0x0  }
0x1e4: {  	s7 =	simm.s32 $0xC440;
	v5 =	vmov s24;
	[sflag:s14] =	ssyncadd.s32 $0xFFFFC000  }
0x1e5: {  	v6 =	vadd.s32 v0, v4;
	v7 =	vand.u32 $0x78, v5;
	v8 =	vld [tilespmem:s7+$0xFFFFFFC0]  }
0x1e6: {  	v9 =	vadd.s32 v1, v4;
	v5 =	vand.u32 $0x6, v5;
	v10 =	vadd.s32 v7, v6;
	v11 =	vld [tilespmem:s7+$0xFFFFFFD0]  }
0x1e7: {  	v12 =	vadd.s32 v2, v4;
	v13 =	vadd.s32 v7, v9;
	v10 =	vor.u32 v5, v10;
	v14 =	vld [tilespmem:s7+$0xFFFFFFE0]  }
0x1e8: {  	v4 =	vadd.s32 v3, v4;
	v15 =	vadd.s32 v7, v12;
	v13 =	vor.u32 v5, v13;
	v16 =	vld [tilespmem:s7+$0xFFFFFFF0]  }
0x1e9: {  	v7 =	vadd.s32 v7, v4;
	v15 =	vor.u32 v5, v15  }
0x1ea: {  	v5 =	vor.u32 v5, v7;
	v7 =	vmul.f32 $8.000000000e+00, v8  }
0x1eb: {  	s30 =	simm.s32 $0x1;
	v8 =	vmul.f32 $8.000000000e+00, v11  }
0x1ec: {  	v11 =	vmov s30;
	v14 =	vmul.f32 $8.000000000e+00, v14;
	[tilespmem:v10+s10+$0x0] =	vst.idx.msk $0xffff, v7  }
0x1ed: {  	s31 =	simm.s32 $0x0;
	v7 =	vand.u32 $0x78, v11;
	v10 =	vmul.f32 $8.000000000e+00, v16;
	[tilespmem:v13+s10+$0x0] =	vst.idx.msk $0xffff, v8  }
0x1ee: {  	v11 =	vand.u32 $0x7, v11;
	v8 =	vadd.s32 v7, v9;
	v9 =	vmov s31;
	[tilespmem:v15+s10+$0x0] =	vst.idx.msk $0xffff, v14  }
0x1ef: {  	v6 =	vadd.s32 v7, v6;
	v12 =	vadd.s32 v7, v12;
	v63 =	vmul.u32 $0x2200, v9;
	[tilespmem:v5+s10+$0x0] =	vst.idx.msk $0xffff, v10  }
0x1f0: {  	v6 =	vor.u32 v11, v6;
	v5 =	vadd.s32 v7, v4;
	v4 =	vor.u32 v11, v12;
	v9 =	vld [tilespmem:s7+$0x0]  }
0x1f1: {  	s29 =	simm.s32 $0x4;
	s15 =	simm.s32 $0xC440;
	s24 =	simm.s32 $0x2;
	v7 =	vor.u32 v11, v8;
	v5 =	vor.u32 v11, v5;
	v8 =	vbroadcast v63, $0x0;
	v10 =	vld [tilespmem:s7+$0x10]  }
.LBB2_18:
0x1f2: {  	s30 =	sadd.s32 $0x1, s24  }
0x1f3: {  	v11 =	vmov s24;
	v12 =	vld [tilespmem:s7+$0x20];
	s15 =	sadd.s32 $0x80, s15;
	s24 =	smov.u32 s29;
	s1 =	sadd.s32 $0x2, s29  }
0x1f4: {  	p0 =	slt.u32 s29, $0xFE;
	v13 =	vadd.s32 v0, v8;
	v14 =	vadd.s32 v1, v8;
	v15 =	vmov s30;
	v16 =	vld [tilespmem:s7+$0x30];
	s7 =	smov.u32 s15  }
0x1f5: {  	v17 =	vand.u32 $0x78, v11;
	v11 =	vand.u32 $0x6, v11;
	v18 =	vand.u32 $0x78, v15  }
0x1f6: {  	v19 =	vadd.s32 v3, v8;
	v20 =	vadd.s32 v18, v13;
	v9 =	vmul.f32 $8.000000000e+00, v9  }
0x1f7: {  	v13 =	vadd.s32 v17, v13;
	v21 =	vadd.s32 v18, v14;
	v10 =	vmul.f32 $8.000000000e+00, v10  }
0x1f8: {  	v8 =	vadd.s32 v2, v8;
	v22 =	vadd.s32 v18, v19;
	v12 =	vmul.f32 $8.000000000e+00, v12;
	[tilespmem:v6+s10+$0x0] =	vst.idx.msk $0xffff, v9  }
0x1f9: {  	v9 =	vor.u32 v11, v13;
	v6 =	vadd.s32 v17, v14;
	v13 =	vmul.f32 $8.000000000e+00, v16;
	[tilespmem:v7+s10+$0x0] =	vst.idx.msk $0xffff, v10  }
0x1fa: {  	v10 =	vor.u32 v11, v6;
	v6 =	vadd.s32 v17, v8;
	[tilespmem:v4+s10+$0x0] =	vst.idx.msk $0xffff, v12  }
0x1fb: {  	v12 =	vor.u32 v11, v6;
	v4 =	vadd.s32 v17, v19;
	[tilespmem:v5+s10+$0x0] =	vst.idx.msk $0xffff, v13  }
0x1fc: {  	v11 =	vor.u32 v11, v4;
	v4 =	vadd.s32 v18, v8;
	v5 =	vld [tilespmem:s15+$0xFFFFFFC0]  }
0x1fd: {  	v7 =	vld [tilespmem:s15+$0xFFFFFFD0]  }
0x1fe: {  	v8 =	vld [tilespmem:s15+$0xFFFFFFE0]  }
0x1ff: {  	v13 =	vld [tilespmem:s15+$0xFFFFFFF0]  }
0x200: {  	v14 =	vand.u32 $0x7, v15  }
0x201: {  	v6 =	vor.u32 v14, v20;
	v4 =	vor.u32 v14, v4;
	v5 =	vmul.f32 $8.000000000e+00, v5  }
0x202: {  	v15 =	vmul.f32 $8.000000000e+00, v7;
	v7 =	vor.u32 v14, v21  }
0x203: {  	v8 =	vmul.f32 $8.000000000e+00, v8;
	[tilespmem:v9+s10+$0x0] =	vst.idx.msk $0xffff, v5  }
.Ltmp8:
0x204: {  	s29 =	sshrl.u32 s24, $0x7;
	v5 =	vor.u32 v14, v22;
	v9 =	vmul.f32 $8.000000000e+00, v13;
	[tilespmem:v10+s10+$0x0] =	vst.idx.msk $0xffff, v15;
	(pc) =	sbr.rel @p0 .LBB2_18-.Ltmp8, $4  }
0x205: {  	v10 =	vmov s29;
	[tilespmem:v12+s10+$0x0] =	vst.idx.msk $0xffff, v8  }
0x206: {  	v8 =	vmul.u32 $0x2200, v10;
	[tilespmem:v11+s10+$0x0] =	vst.idx.msk $0xffff, v9  }
0x207: {  	v9 =	vld [tilespmem:s15+$0x0]  }
0x208: {  	s29 =	smov.u32 s1;
	v8 =	vbroadcast v8, $0x0;
	v10 =	vld [tilespmem:s15+$0x10]  }
0x209: {  	v11 =	vld [tilespmem:s7+$0x20]  }
0x20a: {  	v12 =	vld [tilespmem:s7+$0x30];
	_ =	sdelay $0x1  }
0x20b: {  	v9 =	vmul.f32 $8.000000000e+00, v9  }
0x20c: {  	v10 =	vmul.f32 $8.000000000e+00, v10  }
0x20d: {  	v11 =	vmul.f32 $8.000000000e+00, v11;
	[tilespmem:v6+s10+$0x0] =	vst.idx.msk $0xffff, v9  }
0x20e: {  	v50 =	vmul.f32 $8.000000000e+00, v12;
	[tilespmem:v7+s10+$0x0] =	vst.idx.msk $0xffff, v10  }
0x20f: {  	[tilespmem:v4+s10+$0x0] =	vst.idx.msk $0xffff, v11  }
0x210: {  	s1 =	sadd.s32 $0x80, s15;
	v4 =	vmov s24;
	[tilespmem:v5+s10+$0x0] =	vst.idx.msk $0xffff, v50  }
0x211: {  	v5 =	vadd.s32 v0, v8;
	v51 =	vand.u32 $0x78, v4;
	v7 =	vld [tilespmem:s1+$0xFFFFFFC0]  }
0x212: {  	v52 =	vadd.s32 v1, v8;
	v4 =	vand.u32 $0x6, v4;
	v53 =	vadd.s32 v51, v5;
	v11 =	vld [tilespmem:s1+$0xFFFFFFD0]  }
0x213: {  	v54 =	vadd.s32 v2, v8;
	v13 =	vadd.s32 v51, v52;
	v14 =	vld [tilespmem:s1+$0xFFFFFFE0];
	v10 =	vor.u32 v4, v53  }
0x214: {  	v55 =	vadd.s32 v3, v8;
	v15 =	vadd.s32 v51, v54;
	v16 =	vld [tilespmem:s1+$0xFFFFFFF0];
	v13 =	vor.u32 v4, v13  }
0x215: {  	v6 =	vadd.s32 v51, v55;
	v15 =	vor.u32 v4, v15  }
0x216: {  	v4 =	vor.u32 v4, v6;
	v56 =	vmul.f32 $8.000000000e+00, v7  }
0x217: {  	v57 =	vmul.f32 $8.000000000e+00, v11  }
0x218: {  	v58 =	vmul.f32 $8.000000000e+00, v14;
	[tilespmem:v10+s10+$0x0] =	vst.idx.msk $0xffff, v56  }
0x219: {  	v59 =	vmul.f32 $8.000000000e+00, v16;
	[tilespmem:v13+s10+$0x0] =	vst.idx.msk $0xffff, v57  }
0x21a: {  	s30 =	sadd.s32 $0x1, s24;
	[tilespmem:v15+s10+$0x0] =	vst.idx.msk $0xffff, v58  }
0x21b: {  	v60 =	vmov s30;
	[tilespmem:v4+s10+$0x0] =	vst.idx.msk $0xffff, v59  }
0x21c: {  	v4 =	vand.u32 $0x78, v60;
	v6 =	vld [tilespmem:s1+$0x0]  }
0x21d: {  	v7 =	vand.u32 $0x7, v60;
	v5 =	vadd.s32 v4, v5;
	v10 =	vld [tilespmem:s1+$0x10]  }
0x21e: {  	v9 =	vadd.s32 v4, v52;
	v11 =	vld [tilespmem:s1+$0x20];
	v5 =	vor.u32 v7, v5  }
0x21f: {  	v12 =	vadd.s32 v4, v54;
	v13 =	vld [tilespmem:s1+$0x30];
	v9 =	vor.u32 v7, v9  }
0x220: {  	v4 =	vadd.s32 v4, v55;
	v61 =	vor.u32 v7, v12  }
0x221: {  	v4 =	vor.u32 v7, v4;
	v6 =	vmul.f32 $8.000000000e+00, v6  }
0x222: {  	v62 =	vmul.f32 $8.000000000e+00, v10  }
0x223: {  	v63 =	vmul.f32 $8.000000000e+00, v11;
	[tilespmem:v5+s10+$0x0] =	vst.idx.msk $0xffff, v6  }
0x224: {  	v5 =	vmul.f32 $8.000000000e+00, v13;
	[tilespmem:v9+s10+$0x0] =	vst.idx.msk $0xffff, v62  }
0x225: {  	[tilespmem:v61+s10+$0x0] =	vst.idx.msk $0xffff, v63  }
0x226: {  	s31 =	simm.s32 $0x14800;
	s1 =	sadd.s32 s0, s22;
	[tilespmem:v4+s10+$0x0] =	vst.idx.msk $0xffff, v5  }
0x227: {  	[hbm4b:s1+s3] =	stream.linear.scatter [tilespmem:s31], [sflag:$0xA], $0x80, $0x38;
	[tilespmem:$0x18C00] =	vst v63  }
0x228: {  	s7 =	simm.s32 $0x14888;
	s15 =	sadd.s32 $0x10, s1  }
0x229: {  	[hbm4b:s15+s3] =	stream.linear.scatter [tilespmem:s7], [sflag:$0xA], $0x80, $0x38;
	[tilespmem:$0x18C00] =	vst v63  }
0x22a: {  	s30 =	simm.s32 $0x14998;
	s24 =	simm.s32 $0x14910;
	s29 =	sadd.s32 $0x20, s1  }
0x22b: {  	[hbm4b:s29+s3] =	stream.linear.scatter [tilespmem:s24], [sflag:$0xA], $0x80, $0x38;
	[tilespmem:$0x18C00] =	vst v63  }
0x22c: {  	s0 =	simm.s32 $0x440;
	s31 =	sadd.s32 $0x30, s1;
	s7 =	simm.s32 $0x14A20  }
0x22d: {  	[hbm4b:s31+s3] =	stream.linear.scatter [tilespmem:s30], [sflag:$0xA], $0x80, $0x38;
	[tilespmem:$0x18C00] =	vst v63  }
0x22e: {  	s15 =	sadd.s32 $0x40, s1;
	s24 =	simm.s32 $0x14AA8;
	s29 =	sadd.s32 $0x50, s1  }
0x22f: {  	[hbm4b:s15+s3] =	stream.linear.scatter [tilespmem:s7], [sflag:$0xA], $0x80, $0x38;
	[tilespmem:$0x18C00] =	vst v63  }
0x230: {  	s30 =	simm.s32 $0x14B30;
	s31 =	sadd.s32 $0x60, s1;
	s7 =	simm.s32 $0x2200  }
0x231: {  	[hbm4b:s29+s3] =	stream.linear.scatter [tilespmem:s24], [sflag:$0xA], $0x80, $0x38;
	[tilespmem:$0x18C00] =	vst v63  }
0x232: {  	s15 =	simm.s32 $0x14BB8;
	s24 =	sadd.s32 $0x70, s1;
	s1 =	sadd.s32 $0x1000, s1  }
0x233: {  	[hbm4b:s31+s3] =	stream.linear.scatter [tilespmem:s30], [sflag:$0xA], $0x80, $0x38;
	[tilespmem:$0x18C00] =	vst v63  }
.LBB2_20:
0x234: {  	[hbm4b:s24+s3] =	stream.linear.scatter [tilespmem:s15], [sflag:$0xA], $0x80, $0x38;
	[tilespmem:$0x18C00] =	vst v63  }
0x235: {  	s15 =	smov.u32 s0;
	s0 =	smov.u32 s7  }
0x236: {  	s29 =	sadd.s32 $0x1100, s7;
	s0 =	sshra.s32 s0, $0x2;
	s24 =	sadd.s32 $0x14800, s15  }
0x237: {  	[hbm4b:s1+s3] =	stream.linear.scatter [tilespmem:s24], [sflag:$0xA], $0x80, $0x38;
	[tilespmem:$0x18C00] =	vst v63  }
0x238: {  	p0 =	sne.s32 s7, $0xFF00;
	s7 =	sadd.s32 $0x14888, s15;
	s24 =	sadd.s32 $0x10, s1  }
0x239: {  	[hbm4b:s24+s3] =	stream.linear.scatter [tilespmem:s7], [sflag:$0xA], $0x80, $0x38;
	[tilespmem:$0x18C00] =	vst v63  }
0x23a: {  	s7 =	sadd.s32 $0x14910, s15;
	s24 =	sadd.s32 $0x20, s1  }
0x23b: {  	[hbm4b:s24+s3] =	stream.linear.scatter [tilespmem:s7], [sflag:$0xA], $0x80, $0x38;
	[tilespmem:$0x18C00] =	vst v63  }
0x23c: {  	s7 =	sadd.s32 $0x14998, s15;
	s24 =	sadd.s32 $0x30, s1  }
0x23d: {  	[hbm4b:s24+s3] =	stream.linear.scatter [tilespmem:s7], [sflag:$0xA], $0x80, $0x38;
	[tilespmem:$0x18C00] =	vst v63  }
0x23e: {  	s7 =	sadd.s32 $0x14A20, s15;
	s24 =	sadd.s32 $0x40, s1  }
0x23f: {  	[hbm4b:s24+s3] =	stream.linear.scatter [tilespmem:s7], [sflag:$0xA], $0x80, $0x38;
	[tilespmem:$0x18C00] =	vst v63  }
.Ltmp9:
0x240: {  	s7 =	sadd.s32 $0x14AA8, s15;
	s24 =	sadd.s32 $0x50, s1;
	(pc) =	sbr.rel @p0 .LBB2_20-.Ltmp9, $4  }
0x241: {  	[hbm4b:s24+s3] =	stream.linear.scatter [tilespmem:s7], [sflag:$0xA], $0x80, $0x38;
	[tilespmem:$0x18C00] =	vst v63  }
0x242: {  	s7 =	sadd.s32 $0x14B30, s15;
	s24 =	sadd.s32 $0x60, s1;
	s15 =	sadd.s32 $0x14BB8, s15  }
0x243: {  	[hbm4b:s24+s3] =	stream.linear.scatter [tilespmem:s7], [sflag:$0xA], $0x80, $0x38;
	[tilespmem:$0x18C00] =	vst v63  }
0x244: {  	s24 =	sadd.s32 $0x70, s1;
	s1 =	sadd.s32 $0x1000, s1;
	s7 =	smov.u32 s29  }
0x245: {  	[hbm4b:s24+s3] =	stream.linear.scatter [tilespmem:s15], [sflag:$0xA], $0x80, $0x38;
	[tilespmem:$0x18C00] =	vst v63  }
0x246: {  	s7 =	sadd.s32 $0x14800, s0  }
0x247: {  	[hbm4b:s1+s3] =	stream.linear.scatter [tilespmem:s7], [sflag:$0xA], $0x80, $0x38;
	[tilespmem:$0x18C00] =	vst v63  }
0x248: {  	s30 =	sadd.s32 $0x14888, s0;
	s31 =	sadd.s32 $0x10, s1  }
0x249: {  	[hbm4b:s31+s3] =	stream.linear.scatter [tilespmem:s30], [sflag:$0xA], $0x80, $0x38;
	[tilespmem:$0x18C00] =	vst v63  }
0x24a: {  	s24 =	sadd.s32 $0x14910, s0;
	s29 =	sadd.s32 $0x20, s1  }
0x24b: {  	[hbm4b:s29+s3] =	stream.linear.scatter [tilespmem:s24], [sflag:$0xA], $0x80, $0x38;
	[tilespmem:$0x18C00] =	vst v63  }
0x24c: {  	s30 =	sadd.s32 $0x14998, s0;
	s31 =	sadd.s32 $0x30, s1  }
0x24d: {  	[hbm4b:s31+s3] =	stream.linear.scatter [tilespmem:s30], [sflag:$0xA], $0x80, $0x38;
	[tilespmem:$0x18C00] =	vst v63  }
0x24e: {  	s23 =	sadd.s32 $0x1, s23;
	s24 =	sadd.s32 $0x14A20, s0;
	s29 =	sadd.s32 $0x40, s1  }
0x24f: {  	[hbm4b:s29+s3] =	stream.linear.scatter [tilespmem:s24], [sflag:$0xA], $0x80, $0x38;
	[tilespmem:$0x18C00] =	vst v63  }
0x250: {  	p0 =	sne.s32 s23, $0x19;
	s30 =	sadd.s32 $0x14AA8, s0;
	s31 =	sadd.s32 $0x50, s1  }
0x251: {  	[hbm4b:s31+s3] =	stream.linear.scatter [tilespmem:s30], [sflag:$0xA], $0x80, $0x38;
	[tilespmem:$0x18C00] =	vst v63  }
.Ltmp10:
0x252: {  	_ = 	snop;
	(pc) =	sbr.rel @p0 .LBB2_2-.Ltmp10, $4  }
0x253: {  	s24 =	sadd.s32 $0x14B30, s0;
	s29 =	sadd.s32 $0x60, s1  }
0x254: {  	[hbm4b:s29+s3] =	stream.linear.scatter [tilespmem:s24], [sflag:$0xA], $0x80, $0x38;
	[tilespmem:$0x18C00] =	vst v63  }
0x255: {  	s30 =	sadd.s32 $0x14BB8, s0;
	s31 =	sadd.s32 $0x70, s1  }
0x256: {  	[hbm4b:s31+s3] =	stream.linear.scatter [tilespmem:s30], [sflag:$0xA], $0x80, $0x38;
	[tilespmem:$0x18C00] =	vst v63  }
0x257: {  	_ =	swait.ge [sflag:s12], $0x4000  }
0x258: {  	[sflag:s12] =	ssyncset.done $0x0  }
0x259: {  	[sflag:s12] =	ssyncadd.s32 $0xFFFFC000  }
0x25a: {  	_ =	swait.ge [sflag:s14], $0x4000  }
0x25b: {  	s1 =	rddreg [dreg:$0xc]  }
0x25c: {  	s0 =	rddreg [dreg:$0xb];
	s1 =	sadd.s32 $0x1, s1  }
0x25d: {  	p0 =	sne.s32 s1, s0  }
.Ltmp11:
0x25e: {  	_ = 	snop;
	(pc) =	sbr.rel @p0 .LBB2_1-.Ltmp11, $3  }
0x25f: {  	_ =	sdelay $0x1  }
0x260: {  	[sflag:s14] =	ssyncset.done $0x0  }
0x261: {  	[sflag:s14] =	ssyncadd.s32 $0xFFFFC000  }
0x262: {  	_ =	sfence.sel $0x180000  }
0x263: {  	[bflag:$0x0] =	sbarrier.arrive $0xFFFF  }
0x264: {  	_ =	strace $0x90000047  }
0x265: {  	s0 =	stileid.u32;
	[bflag:$0x2] =	sbarrier.arrive $0xFFFF  }
0x266: {  	p0 =	sne.s32 s0, $0x0;
	s0 =	rddreg [dreg:$0x2]  }
0x267: {  	s0 =	sadd.s32 @!p0 $0x100000, s0  }
0x268: {  	[sflag:s0] =	ssyncadd.tile.s32 @!p0 $0x1;
	_ =	shalt  }
.Lfunc_end2:
_tile_overlayer_lowered:
.L_overlay_start_2:
0x269: {  	(tag) =	ssettag $0x2  }
0x26a: {  	s0 =	rddreg [dreg:$0x0];
	s2 =	stileid.u32  }
0x26b: {  	s1 =	rddreg [dreg:$0x1];
	p0 =	sne.s32 s2, $0x0  }
0x26c: {  	s3 =	rddreg [dreg:$0x2];
	[bflag:$0x3] =	sbarrier.arrive $0xFFFF;
	s2 =	simm.s32 @!p0 $0x1C0B  }
0x26d: {  	[timem:s3], [sflag:s2] =	dma.local @!p0 [hbm:s0], s1  }
0x26e: {  	s0 =	simm.s32 @!p0 $0xB  }
0x26f: {  	_ =	swait.ge @!p0 [sflag:s0], s1  }
0x270: {  	s1 =	ssub.s32 @!p0 $0x0, s1;
	[sflag:s0] =	ssyncset.done @!p0 $0x0  }
0x271: {  	[sflag:s0] =	ssyncadd.s32 @!p0 s1  }
0x272: {  	[bflag:$0x3] =	sbarrier.arrive $0xFFFF  }
0x273: {  	_ =	shalt  }

</sc_bundles>
